<compile_context>
chip_gen: v7x
topology: tpu7x:2x2x1
jax: 0.10.2.dev20260603
libtpu: 0.0.44.dev20260713+nightly
codegen_flags: <defaults>
</compile_context>

<pallas_src>
import functools
import math

import jax
import jax.numpy as jnp
from jax import lax
from jax.experimental import pallas as pl
from jax.experimental.pallas import tpu as pltpu


def _posadd_body(x_ref, p_ref, o_ref):
    o_ref[...] = x_ref[...] + p_ref[...]


def _pos_add(x, pos):
    Bb, Ss, Dd = x.shape
    blk = 512
    return pl.pallas_call(
        _posadd_body,
        grid=(Bb, Ss // blk),
        in_specs=[
            pl.BlockSpec((1, blk, Dd), lambda b, i: (b, i, 0)),
            pl.BlockSpec((blk, Dd), lambda b, i: (i, 0)),
        ],
        out_specs=pl.BlockSpec((1, blk, Dd), lambda b, i: (b, i, 0)),
        out_shape=jax.ShapeDtypeStruct((Bb, Ss, Dd), x.dtype),
    )(x, pos)


def _mm_body_none(x_ref, w_ref, b_ref, o_ref):
    acc = jnp.dot(x_ref[...], w_ref[...], preferred_element_type=jnp.float32)
    o_ref[...] = acc + b_ref[...]


def _mm_body_relu(x_ref, w_ref, b_ref, o_ref):
    acc = jnp.dot(x_ref[...], w_ref[...], preferred_element_type=jnp.float32)
    o_ref[...] = jnp.maximum(acc + b_ref[...], 0.0)


def _mm_body_ln(x_ref, w_ref, b_ref, g_ref, bb_ref, o_ref):
    acc = jnp.dot(x_ref[...], w_ref[...], preferred_element_type=jnp.float32)
    y = acc + b_ref[...]
    mu = jnp.mean(y, axis=1, keepdims=True)
    d = y - mu
    var = jnp.mean(d * d, axis=1, keepdims=True)
    o_ref[...] = d * lax.rsqrt(var + 1e-5) * g_ref[...] + bb_ref[...]


def _matmul(x, w, b, act="none", g=None, beta=None, blk_m=256):
    M, K = x.shape
    K2, N = w.shape
    assert K == K2
    b2 = b.reshape(1, N)
    grid = (M // blk_m,)
    in_specs = [
        pl.BlockSpec((blk_m, K), lambda i: (i, 0)),
        pl.BlockSpec((K, N), lambda i: (0, 0)),
        pl.BlockSpec((1, N), lambda i: (0, 0)),
    ]
    args = [x, w, b2]
    if act == "ln":
        in_specs += [
            pl.BlockSpec((1, N), lambda i: (0, 0)),
            pl.BlockSpec((1, N), lambda i: (0, 0)),
        ]
        args += [g.reshape(1, N), beta.reshape(1, N)]
        body = _mm_body_ln
    elif act == "relu":
        body = _mm_body_relu
    else:
        body = _mm_body_none
    return pl.pallas_call(
        body,
        grid=grid,
        in_specs=in_specs,
        out_specs=pl.BlockSpec((blk_m, N), lambda i: (i, 0)),
        out_shape=jax.ShapeDtypeStruct((M, N), jnp.float32),
    )(*args)


def _rank_body(bkt_in_ref, p_ref, inc_ref, oh_ref, *, nb):
    S = bkt_in_ref.shape[3]
    NB = nb
    BLK = 128
    NBLK = S // BLK

    bucket = jnp.reshape(bkt_in_ref[0, 0, 0, :], (S, 1))
    icol_i = lax.broadcasted_iota(jnp.int32, (S, NB), 1)
    icol = icol_i.astype(jnp.float32)
    onehot = (icol == bucket).astype(jnp.float32)
    oh_ref[...] = onehot

    r = lax.broadcasted_iota(jnp.int32, (BLK, BLK), 0)
    c = lax.broadcasted_iota(jnp.int32, (BLK, BLK), 1)
    tri = (c <= r).astype(jnp.float32)

    def blk_step(bi, carry):
        seg = oh_ref[pl.ds(bi * BLK, BLK), :]
        inc = jnp.dot(tri, seg, preferred_element_type=jnp.float32) + carry
        inc_ref[pl.ds(bi * BLK, BLK), :] = inc
        return inc[BLK - 1:BLK, :]

    totals = lax.fori_loop(0, NBLK, blk_step,
                           jnp.zeros((1, NB), jnp.float32))

    rb = lax.broadcasted_iota(jnp.int32, (NB, NB), 0)
    cb = lax.broadcasted_iota(jnp.int32, (NB, NB), 1)
    strict = (rb < cb).astype(jnp.float32)
    starts = jnp.dot(totals, strict,
                     preferred_element_type=jnp.float32)

    inc_all = inc_ref[...]
    rank_incl = jnp.sum(onehot * inc_all, axis=1, keepdims=True)
    start_i = jnp.sum(onehot * starts, axis=1, keepdims=True)
    p = start_i + rank_incl - 1.0
    p_ref[0, 0, 0, :] = p[:, 0]


def _rank(bkt_f, nb):
    BH, R, _, S = bkt_f.shape
    out = pl.pallas_call(
        functools.partial(_rank_body, nb=nb),
        grid=(BH, R),
        in_specs=[
            pl.BlockSpec((1, 1, 1, S), lambda i, r: (i, r, 0, 0)),
        ],
        out_specs=pl.BlockSpec((1, 1, 1, S), lambda i, r: (i, r, 0, 0)),
        out_shape=jax.ShapeDtypeStruct((BH, R, 1, S), jnp.float32),
        scratch_shapes=[pltpu.VMEM((S, nb), jnp.float32),
                        pltpu.VMEM((S, nb), jnp.float32)],
    )(bkt_f)
    return out[:, :, 0, :]


def _attn_body(x_ref, o_ref, *, chunk, n_chunks, scale):
    def step(c, _):
        base = c * chunk
        prev = lax.rem(c + n_chunks - 1, n_chunks) * chunk
        qc = x_ref[0, pl.ds(base, chunk), 0:64]
        kc = x_ref[0, pl.ds(base, chunk), 64:128]
        kp = x_ref[0, pl.ds(prev, chunk), 64:128]
        vc = x_ref[0, pl.ds(base, chunk), 128:192]
        vp = x_ref[0, pl.ds(prev, chunk), 128:192]
        bc = x_ref[0, pl.ds(base, chunk), 192:193]
        bp = x_ref[0, pl.ds(prev, chunk), 192:193]
        k_cat = jnp.concatenate([kp, kc], axis=0)
        v_cat = jnp.concatenate([vp, vc], axis=0)
        b_cat = jnp.reshape(jnp.concatenate([bp, bc], axis=0), (1, 2 * chunk))
        scores = lax.dot_general(qc, k_cat, (((1,), (1,)), ((), ())),
                                 preferred_element_type=jnp.float32) * scale
        mask = bc == b_cat
        scores = jnp.where(mask, scores, -1e9)
        m = jnp.max(scores, axis=1, keepdims=True)
        e = jnp.exp(scores - m)
        attn = e / jnp.sum(e, axis=1, keepdims=True)
        o_ref[0, pl.ds(base, chunk), :] = jnp.dot(
            attn, v_cat, preferred_element_type=jnp.float32)
        return 0

    lax.fori_loop(0, n_chunks, step, 0)


def _attention(xs, chunk):
    G, S, W = xs.shape
    n_chunks = S // chunk
    scale = 1.0 / math.sqrt(64.0)
    return pl.pallas_call(
        functools.partial(_attn_body, chunk=chunk, n_chunks=n_chunks,
                          scale=scale),
        grid=(G,),
        in_specs=[pl.BlockSpec((1, S, W), lambda i: (i, 0, 0))],
        out_specs=pl.BlockSpec((1, S, 64), lambda i: (i, 0, 0)),
        out_shape=jax.ShapeDtypeStruct((G, S, 64), jnp.float32),
    )(xs)


def kernel(input_tensor, position_embedding, Wq, bq, Wk, bk, Wv, bv, Wo, bo,
           ln_g, ln_b, W1, b1, W2, b2, rotations):
    Bb, Ss, Dd = input_tensor.shape
    R, DH, F = rotations.shape
    NB = 2 * F
    H = Dd // DH
    BH = Bb * H
    CHUNK = Ss // NB

    x = _pos_add(input_tensor, position_embedding[:Ss])
    Wqkv = jnp.concatenate([Wq, Wk, Wv], axis=1)
    bqkv = jnp.concatenate([bq, bk, bv], axis=0)

    bh_off = (jnp.arange(BH, dtype=jnp.int32) * Ss)[:, None]

    for _ in range(2):
        qkv = _matmul(x.reshape(Bb * Ss, Dd), Wqkv, bqkv)
        qkv = qkv.reshape(Bb, Ss, 3, H, DH).transpose(2, 0, 3, 1, 4)
        q = qkv[0].reshape(BH, Ss, DH)
        k = qkv[1].reshape(BH, Ss, DH)
        v = qkv[2].reshape(BH, Ss, DH)

        qx = (x.reshape(Bb * Ss, Dd) @ Wq + bq).reshape(
            Bb, Ss, H, DH).transpose(0, 2, 1, 3)
        bkts = []
        for r in range(R):
            proj = jnp.einsum('bhsd,df->bhsf', qx, rotations[r])
            bkts.append(jnp.argmax(
                jnp.concatenate([proj, -proj], axis=-1), axis=-1))
        bkt_f = jnp.stack(bkts, axis=2).reshape(
            BH, R, 1, Ss).astype(jnp.float32)
        p_f = _rank(bkt_f, NB)
        bkt_f = bkt_f.reshape(BH, R, Ss)
        p = p_f.astype(jnp.int32)

        payload = jnp.concatenate(
            [q, k, v, jnp.zeros((BH, Ss, 16), jnp.float32)], axis=2)

        outs = []
        for r in range(R):
            pay = payload.at[:, :, 192].set(bkt_f[:, r, :])
            gidx = (p[:, r, :] + bh_off).reshape(BH * Ss)
            xs = jnp.zeros((BH * Ss, 208), jnp.float32).at[gidx].set(
                pay.reshape(BH * Ss, 208), mode="promise_in_bounds",
                unique_indices=True)
            os = _attention(xs.reshape(BH, Ss, 208), CHUNK)
            o_r = jnp.take(os.reshape(BH * Ss, 64), gidx, axis=0)
            outs.append(o_r)

        o = (outs[0] + outs[1]) * 0.5
        o = o.reshape(Bb, H, Ss, DH).transpose(0, 2, 1, 3).reshape(
            Bb * Ss, Dd)
        y = _matmul(o, Wo, bo, act="ln", g=ln_g, beta=ln_b)
        h = _matmul(y, W1, b1, act="relu")
        x = _matmul(h, W2, b2, act="ln", g=ln_g, beta=ln_b).reshape(
            Bb, Ss, Dd)

    return x

# --- scband reference (transcript-rebuilt; emitter-appended) ---
"""Pipeline reference for scband-reformer-85521388798118 (READ-ONLY COPY).

The authoritative reference and input builder live on the scoring server;
editing this copy changes nothing except your own understanding.
"""

import jax, jax.numpy as jnp
import numpy as np
import math

B, S, D, H = 2, 4096, 768, 12
DH = D // H
NUM_BUCKETS = 64
LSH_DEPTH = 2
NUM_LAYERS = 2
CHUNK = S // NUM_BUCKETS
MAX_SEQ_LEN = 4096

def setup_inputs(seed: int = 0):
    key = jax.random.key(seed)
    ks = jax.random.split(key, 16)
    s = 0.02
    return {
        "input_tensor": jax.random.normal(ks[0], (B, S, D), dtype=jnp.float32),
        "position_embedding": jax.random.normal(ks[1], (MAX_SEQ_LEN, D), dtype=jnp.float32),
        "Wq": jax.random.normal(ks[2], (D, D), dtype=jnp.float32) * s,
        "bq": jnp.zeros((D,), jnp.float32),
        "Wk": jax.random.normal(ks[3], (D, D), dtype=jnp.float32) * s,
        "bk": jnp.zeros((D,), jnp.float32),
        "Wv": jax.random.normal(ks[4], (D, D), dtype=jnp.float32) * s,
        "bv": jnp.zeros((D,), jnp.float32),
        "Wo": jax.random.normal(ks[5], (D, D), dtype=jnp.float32) * s,
        "bo": jnp.zeros((D,), jnp.float32),
        "ln_g": jnp.ones((D,), jnp.float32),
        "ln_b": jnp.zeros((D,), jnp.float32),
        "W1": jax.random.normal(ks[6], (D, 4 * D), dtype=jnp.float32) * s,
        "b1": jnp.zeros((4 * D,), jnp.float32),
        "W2": jax.random.normal(ks[7], (4 * D, D), dtype=jnp.float32) * s,
        "b2": jnp.zeros((D,), jnp.float32),
        "rotations": jax.random.normal(ks[8], (LSH_DEPTH, DH, NUM_BUCKETS // 2), dtype=jnp.float32),
    }

def _layer_norm(x, g, b):
    mu = jnp.mean(x, axis=-1, keepdims=True)
    var = jnp.var(x, axis=-1, keepdims=True)
    return (x - mu) / jnp.sqrt(var + 1e-5) * g + b

def _lsh_attention(x, Wq, bq, Wk, bk, Wv, bv, Wo, bo, rotations):
    Bb, Ss, Dd = x.shape
    n_chunks = Ss // CHUNK
    q = (x @ Wq + bq).reshape(Bb, Ss, H, DH).transpose(0, 2, 1, 3)
    k = (x @ Wk + bk).reshape(Bb, Ss, H, DH).transpose(0, 2, 1, 3)
    v = (x @ Wv + bv).reshape(Bb, Ss, H, DH).transpose(0, 2, 1, 3)
    scale = 1.0 / math.sqrt(DH)
    outs = []
    for r in range(LSH_DEPTH):
        rot = rotations[r]
        proj = jnp.einsum('bhsd,df->bhsf', q, rot)
        buckets = jnp.argmax(jnp.concatenate([proj, -proj], axis=-1), axis=-1)
        order = jnp.argsort(buckets, axis=-1)
        inv_order = jnp.argsort(order, axis=-1)
        qs = jnp.take_along_axis(q, order[..., None], axis=2)
        ks_ = jnp.take_along_axis(k, order[..., None], axis=2)
        vs = jnp.take_along_axis(v, order[..., None], axis=2)
        bs = jnp.take_along_axis(buckets, order, axis=-1)
        qs = qs.reshape(Bb, H, n_chunks, CHUNK, DH)
        ks_ = ks_.reshape(Bb, H, n_chunks, CHUNK, DH)
        vs = vs.reshape(Bb, H, n_chunks, CHUNK, DH)
        bs_c = bs.reshape(Bb, H, n_chunks, CHUNK)
        k_cat = jnp.concatenate([jnp.roll(ks_, 1, axis=2), ks_], axis=3)
        v_cat = jnp.concatenate([jnp.roll(vs, 1, axis=2), vs], axis=3)
        b_cat = jnp.concatenate([jnp.roll(bs_c, 1, axis=2), bs_c], axis=3)
        scores = jnp.einsum('bhncd,bhnkd->bhnck', qs, k_cat) * scale
        mask = bs_c[..., None] == b_cat[..., None, :]
        scores = jnp.where(mask, scores, -1e9)
        attn = jax.nn.softmax(scores, axis=-1)
        o = jnp.einsum('bhnck,bhnkd->bhncd', attn, v_cat)
        o = o.reshape(Bb, H, Ss, DH)
        o = jnp.take_along_axis(o, inv_order[..., None], axis=2)
        outs.append(o)
    o = sum(outs) / float(LSH_DEPTH)
    o = o.transpose(0, 2, 1, 3).reshape(Bb, Ss, Dd)
    return o @ Wo + bo

def reference(input_tensor, position_embedding, Wq, bq, Wk, bk, Wv, bv, Wo, bo, ln_g, ln_b, W1, b1, W2, b2, rotations):
    x = input_tensor + position_embedding[: input_tensor.shape[1]]
    for _ in range(NUM_LAYERS):
        x = _lsh_attention(x, Wq, bq, Wk, bk, Wv, bv, Wo, bo, rotations)
        x = _layer_norm(x, ln_g, ln_b)
        x = jax.nn.relu(x @ W1 + b1) @ W2 + b2
        x = _layer_norm(x, ln_g, ln_b)
    return x

if __name__ == "__main__":
    import jax
    _d = setup_inputs()
    print(jax.jit(kernel)(*tuple(_d.values())))

</pallas_src>

<mosaic_0001>
module attributes {stable_mosaic.version = 14 : i64} {
  func.func @_posadd_body(%arg0: i32, %arg1: i32, %arg2: memref<1x512x768xf32, #tpu.memory_space<vmem>>, %arg3: memref<512x768xf32, #tpu.memory_space<vmem>>, %arg4: memref<1x512x768xf32, #tpu.memory_space<vmem>>) attributes {dimension_semantics = [#tpu.dimension_semantics<arbitrary>, #tpu.dimension_semantics<arbitrary>], iteration_bounds = array<i64: 2, 8>, scalar_prefetch = 0 : i64, scratch_operands = 0 : i64, tpu.core_type = #tpu.core_type<tc>, window_params = [{transform_indices = @transform_0, window_bounds = array<i64: 1, 512, 768>}, {transform_indices = @transform_1, window_bounds = array<i64: 512, 768>}, {transform_indices = @transform_2, window_bounds = array<i64: 1, 512, 768>}]} {
    %get3A = arith.constant 0 : index
    %get3A_0 = arith.constant 0 : index
    %get3A_1 = arith.constant 0 : index
    %get3A_2 = vector.load %arg2[%get3A, %get3A_0, %get3A_1] : memref<1x512x768xf32, #tpu.memory_space<vmem>>, vector<1x512x768xf32>
    %get3A_3 = arith.constant 0 : index
    %get3A_4 = arith.constant 0 : index
    %get3A_5 = vector.load %arg3[%get3A_3, %get3A_4] : memref<512x768xf32, #tpu.memory_space<vmem>>, vector<512x768xf32>
    %broadcast_in_dim3A = vector.shape_cast %get3A_5 : vector<512x768xf32> to vector<1x512x768xf32>
    %add3A = arith.addf %get3A_2, %broadcast_in_dim3A : vector<1x512x768xf32>
    %swap3A = arith.constant 0 : index
    %swap3A_6 = arith.constant 0 : index
    %swap3A_7 = arith.constant 0 : index
    %swap3A_8 = vector.load %arg4[%swap3A, %swap3A_6, %swap3A_7] : memref<1x512x768xf32, #tpu.memory_space<vmem>>, vector<1x512x768xf32>
    tpu.vector_store %arg4[%swap3A, %swap3A_6, %swap3A_7], %add3A {strides = array<i32>} : memref<1x512x768xf32, #tpu.memory_space<vmem>>, vector<1x512x768xf32>,
    return
  }
  func.func @transform_0(%arg0: i32, %arg1: i32) -> (i32, i32, i32) {
    %c0_i32 = arith.constant 0 : i32
    %c0_i32_0 = arith.constant 0 : i32
    return %arg0, %arg1, %c0_i32 : i32, i32, i32
  }
  func.func @transform_1(%arg0: i32, %arg1: i32) -> (i32, i32) {
    %c0_i32 = arith.constant 0 : i32
    %c0_i32_0 = arith.constant 0 : i32
    return %arg1, %c0_i32 : i32, i32
  }
  func.func @transform_2(%arg0: i32, %arg1: i32) -> (i32, i32, i32) {
    %c0_i32 = arith.constant 0 : i32
    %c0_i32_0 = arith.constant 0 : i32
    return %arg0, %arg1, %c0_i32 : i32, i32, i32
  }
}

module attributes {stable_mosaic.version = 14 : i64} {
  func.func @_mm_body_none(%arg0: i32, %arg1: memref<256x768xf32, #tpu.memory_space<vmem>>, %arg2: memref<768x2304xf32, #tpu.memory_space<vmem>>, %arg3: memref<1x2304xf32, #tpu.memory_space<vmem>>, %arg4: memref<256x2304xf32, #tpu.memory_space<vmem>>) attributes {dimension_semantics = [#tpu.dimension_semantics<arbitrary>], iteration_bounds = array<i64: 32>, scalar_prefetch = 0 : i64, scratch_operands = 0 : i64, tpu.core_type = #tpu.core_type<tc>, window_params = [{transform_indices = @transform_0, window_bounds = array<i64: 256, 768>}, {pipeline_mode = #tpu.pipeline_mode<synchronous>, transform_indices = @transform_1, window_bounds = array<i64: 768, 2304>}, {pipeline_mode = #tpu.pipeline_mode<synchronous>, transform_indices = @transform_2, window_bounds = array<i64: 1, 2304>}, {transform_indices = @transform_3, window_bounds = array<i64: 256, 2304>}]} {
    %get3A = arith.constant 0 : index
    %get3A_0 = arith.constant 0 : index
    %get3A_1 = vector.load %arg1[%get3A, %get3A_0] : memref<256x768xf32, #tpu.memory_space<vmem>>, vector<256x768xf32>
    %get3A_2 = arith.constant 0 : index
    %get3A_3 = arith.constant 0 : index
    %get3A_4 = vector.load %arg2[%get3A_2, %get3A_3] : memref<768x2304xf32, #tpu.memory_space<vmem>>, vector<768x2304xf32>
    %dot_general3A = arith.constant dense<0.000000e+00> : vector<256x2304xf32>
    %dot_general3A_5 = tpu.matmul %get3A_1, %get3A_4, %dot_general3A {dimension_numbers = #tpu.dot_dimension_numbers<[1], [0], [0], [1], [0, 0, 1, 1], [], []>, transpose_lhs_hint = false} : vector<256x768xf32>, vector<768x2304xf32>, vector<256x2304xf32> -> vector<256x2304xf32>
    %get3A_6 = arith.constant 0 : index
    %get3A_7 = arith.constant 0 : index
    %get3A_8 = vector.load %arg3[%get3A_6, %get3A_7] : memref<1x2304xf32, #tpu.memory_space<vmem>>, vector<1x2304xf32>
    %add3A = vector.broadcast %get3A_8 : vector<1x2304xf32> to vector<256x2304xf32>
    %add3A_9 = arith.addf %dot_general3A_5, %add3A : vector<256x2304xf32>
    %swap3A = arith.constant 0 : index
    %swap3A_10 = arith.constant 0 : index
    %swap3A_11 = vector.load %arg4[%swap3A, %swap3A_10] : memref<256x2304xf32, #tpu.memory_space<vmem>>, vector<256x2304xf32>
    tpu.vector_store %arg4[%swap3A, %swap3A_10], %add3A_9 {strides = array<i32>} : memref<256x2304xf32, #tpu.memory_space<vmem>>, vector<256x2304xf32>,
    return
  }
  func.func @transform_0(%arg0: i32) -> (i32, i32) {
    %c0_i32 = arith.constant 0 : i32
    %c0_i32_0 = arith.constant 0 : i32
    return %arg0, %c0_i32 : i32, i32
  }
  func.func @transform_1(%arg0: i32) -> (i32, i32) {
    %c0_i32 = arith.constant 0 : i32
    %c0_i32_0 = arith.constant 0 : i32
    %c0_i32_1 = arith.constant 0 : i32
    return %c0_i32, %c0_i32_0 : i32, i32
  }
  func.func @transform_2(%arg0: i32) -> (i32, i32) {
    %c0_i32 = arith.constant 0 : i32
    %c0_i32_0 = arith.constant 0 : i32
    %c0_i32_1 = arith.constant 0 : i32
    return %c0_i32, %c0_i32_0 : i32, i32
  }
  func.func @transform_3(%arg0: i32) -> (i32, i32) {
    %c0_i32 = arith.constant 0 : i32
    %c0_i32_0 = arith.constant 0 : i32
    return %arg0, %c0_i32 : i32, i32
  }
}

module attributes {stable_mosaic.version = 14 : i64} {
  func.func @_rank_body(%arg0: i32, %arg1: i32, %arg2: memref<1x1x1x4096xf32, #tpu.memory_space<vmem>>, %arg3: memref<1x1x1x4096xf32, #tpu.memory_space<vmem>>, %arg4: memref<4096x64xf32, #tpu.memory_space<vmem>>, %arg5: memref<4096x64xf32, #tpu.memory_space<vmem>>) attributes {dimension_semantics = [#tpu.dimension_semantics<arbitrary>, #tpu.dimension_semantics<arbitrary>], iteration_bounds = array<i64: 24, 2>, scalar_prefetch = 0 : i64, scratch_operands = 2 : i64, tpu.core_type = #tpu.core_type<tc>, window_params = [{transform_indices = @transform_0, window_bounds = array<i64: 1, 1, 1, 4096>}, {transform_indices = @transform_1, window_bounds = array<i64: 1, 1, 1, 4096>}]} {
    %get3A = arith.constant 0 : index
    %get3A_0 = arith.constant 0 : index
    %get3A_1 = arith.constant 0 : index
    %get3A_2 = arith.constant 0 : index
    %get3A_3 = vector.load %arg2[%get3A, %get3A_0, %get3A_1, %get3A_2] : memref<1x1x1x4096xf32, #tpu.memory_space<vmem>>, vector<1x1x1x4096xf32>
    %get3A_4 = vector.shape_cast %get3A_3 : vector<1x1x1x4096xf32> to vector<4096xf32>
    %reshape3A = vector.shape_cast %get3A_4 : vector<4096xf32> to vector<4096x1xf32>
    %iota3A = tpu.iota {dimensions = array<i32: 1>} : vector<4096x64xi32>
    %convert_element_type3A = arith.sitofp %iota3A : vector<4096x64xi32> to vector<4096x64xf32>
    %eq3A = vector.broadcast %reshape3A : vector<4096x1xf32> to vector<4096x64xf32>
    %eq3A_5 = arith.cmpf oeq, %convert_element_type3A, %eq3A : vector<4096x64xf32>
    %convert_element_type3A_6 = arith.extui %eq3A_5 : vector<4096x64xi1> to vector<4096x64xi32>
    %convert_element_type3A_7 = arith.sitofp %convert_element_type3A_6 : vector<4096x64xi32> to vector<4096x64xf32>
    %swap3A = arith.constant 0 : index
    %swap3A_8 = arith.constant 0 : index
    %swap3A_9 = vector.load %arg5[%swap3A, %swap3A_8] : memref<4096x64xf32, #tpu.memory_space<vmem>>, vector<4096x64xf32>
    tpu.vector_store %arg5[%swap3A, %swap3A_8], %convert_element_type3A_7 {strides = array<i32>} : memref<4096x64xf32, #tpu.memory_space<vmem>>, vector<4096x64xf32>,
    %iota3A_10 = tpu.iota {dimensions = array<i32: 0>} : vector<128x128xi32>
    %iota3A_11 = tpu.iota {dimensions = array<i32: 1>} : vector<128x128xi32>
    %le3A = arith.cmpi sle, %iota3A_11, %iota3A_10 : vector<128x128xi32>
    %convert_element_type3A_12 = arith.extui %le3A : vector<128x128xi1> to vector<128x128xi32>
    %convert_element_type3A_13 = arith.sitofp %convert_element_type3A_12 : vector<128x128xi32> to vector<128x128xf32>
    %broadcast_in_dim3A = arith.constant 0.000000e+00 : f32
    %broadcast_in_dim3A_14 = vector.broadcast %broadcast_in_dim3A : f32 to vector<1x64xf32>
    %scan3A = arith.constant 0 : i32
    %scan3A_15 = arith.constant 32 : i32
    %scan3A_16 = arith.addi %scan3A, %scan3A_15 : i32
    %scan3A_17 = arith.constant 1 : i32
    %scan3A_18 = scf.for %scan3A_44 = %scan3A to %scan3A_16 step %scan3A_17 iter_args(%scan3A_45 = %broadcast_in_dim3A_14) -> (vector<1x64xf32>)  : i32 {
      %mul3A_46 = arith.constant 128 : i32
      %mul3A_47 = arith.muli %scan3A_44, %mul3A_46 : i32
      %get3A_48 = arith.index_cast %mul3A_47 : i32 to index
      %get3A_49 = arith.constant 0 : index
      %get3A_50 = vector.load %arg5[%get3A_48, %get3A_49] : memref<4096x64xf32, #tpu.memory_space<vmem>>, vector<128x64xf32>
      %dot_general3A_51 = arith.constant dense<0.000000e+00> : vector<128x64xf32>
      %dot_general3A_52 = tpu.matmul %convert_element_type3A_13, %get3A_50, %dot_general3A_51 {dimension_numbers = #tpu.dot_dimension_numbers<[1], [0], [0], [1], [0, 0, 1, 1], [], []>, transpose_lhs_hint = false} : vector<128x128xf32>, vector<128x64xf32>, vector<128x64xf32> -> vector<128x64xf32>
      %add3A_53 = vector.broadcast %scan3A_45 : vector<1x64xf32> to vector<128x64xf32>
      %add3A_54 = arith.addf %dot_general3A_52, %add3A_53 : vector<128x64xf32>
      %mul3A_55 = arith.constant 128 : i32
      %mul3A_56 = arith.muli %scan3A_44, %mul3A_55 : i32
      %swap3A_57 = arith.index_cast %mul3A_56 : i32 to index
      %swap3A_58 = arith.constant 0 : index
      %swap3A_59 = vector.load %arg4[%swap3A_57, %swap3A_58] : memref<4096x64xf32, #tpu.memory_space<vmem>>, vector<128x64xf32>
      tpu.vector_store %arg4[%swap3A_57, %swap3A_58], %add3A_54 {strides = array<i32>} : memref<4096x64xf32, #tpu.memory_space<vmem>>, vector<128x64xf32>,
      %slice3A = vector.extract_strided_slice %add3A_54 {offsets = [127, 0], sizes = [1, 64], strides = [1, 1]} : vector<128x64xf32> to vector<1x64xf32>
      scf.yield %slice3A : vector<1x64xf32>
    }
    %scan3A_19 = arith.constant 32 : i32
    %iota3A_20 = tpu.iota {dimensions = array<i32: 0>} : vector<64x64xi32>
    %iota3A_21 = tpu.iota {dimensions = array<i32: 1>} : vector<64x64xi32>
    %lt3A = arith.cmpi slt, %iota3A_20, %iota3A_21 : vector<64x64xi32>
    %convert_element_type3A_22 = arith.extui %lt3A : vector<64x64xi1> to vector<64x64xi32>
    %convert_element_type3A_23 = arith.sitofp %convert_element_type3A_22 : vector<64x64xi32> to vector<64x64xf32>
    %dot_general3A = arith.constant dense<0.000000e+00> : vector<1x64xf32>
    %dot_general3A_24 = tpu.matmul %scan3A_18, %convert_element_type3A_23, %dot_general3A {dimension_numbers = #tpu.dot_dimension_numbers<[1], [0], [0], [1], [0, 0, 1, 1], [], []>, transpose_lhs_hint = false} : vector<1x64xf32>, vector<64x64xf32>, vector<1x64xf32> -> vector<1x64xf32>
    %get3A_25 = arith.constant 0 : index
    %get3A_26 = arith.constant 0 : index
    %get3A_27 = vector.load %arg4[%get3A_25, %get3A_26] : memref<4096x64xf32, #tpu.memory_space<vmem>>, vector<4096x64xf32>
    %mul3A = arith.mulf %convert_element_type3A_7, %get3A_27 : vector<4096x64xf32>
    %reduce_sum3A = arith.constant dense<0.000000e+00> : vector<4096xf32>
    %reduce_sum3A_28 = vector.multi_reduction <add>, %mul3A, %reduce_sum3A [1] : vector<4096x64xf32> to vector<4096xf32>
    %broadcast_in_dim3A_29 = vector.shape_cast %reduce_sum3A_28 : vector<4096xf32> to vector<4096x1xf32>
    %mul3A_30 = vector.broadcast %dot_general3A_24 : vector<1x64xf32> to vector<4096x64xf32>
    %mul3A_31 = arith.mulf %convert_element_type3A_7, %mul3A_30 : vector<4096x64xf32>
    %reduce_sum3A_32 = arith.constant dense<0.000000e+00> : vector<4096xf32>
    %reduce_sum3A_33 = vector.multi_reduction <add>, %mul3A_31, %reduce_sum3A_32 [1] : vector<4096x64xf32> to vector<4096xf32>
    %broadcast_in_dim3A_34 = vector.shape_cast %reduce_sum3A_33 : vector<4096xf32> to vector<4096x1xf32>
    %add3A = arith.addf %broadcast_in_dim3A_34, %broadcast_in_dim3A_29 : vector<4096x1xf32>
    %sub3A = arith.constant 1.000000e+00 : f32
    %sub3A_35 = vector.broadcast %sub3A : f32 to vector<4096x1xf32>
    %sub3A_36 = arith.subf %add3A, %sub3A_35 : vector<4096x1xf32>
    %squeeze3A = vector.shape_cast %sub3A_36 : vector<4096x1xf32> to vector<4096xf32>
    %swap3A_37 = arith.constant 0 : index
    %swap3A_38 = arith.constant 0 : index
    %swap3A_39 = arith.constant 0 : index
    %swap3A_40 = arith.constant 0 : index
    %swap3A_41 = vector.load %arg3[%swap3A_37, %swap3A_38, %swap3A_39, %swap3A_40] : memref<1x1x1x4096xf32, #tpu.memory_space<vmem>>, vector<1x1x1x4096xf32>
    %swap3A_42 = vector.shape_cast %swap3A_41 : vector<1x1x1x4096xf32> to vector<4096xf32>
    %swap3A_43 = vector.shape_cast %squeeze3A : vector<4096xf32> to vector<1x1x1x4096xf32>
    tpu.vector_store %arg3[%swap3A_37, %swap3A_38, %swap3A_39, %swap3A_40], %swap3A_43 {strides = array<i32>} : memref<1x1x1x4096xf32, #tpu.memory_space<vmem>>, vector<1x1x1x4096xf32>,
    return
  }
  func.func @transform_0(%arg0: i32, %arg1: i32) -> (i32, i32, i32, i32) {
    %c0_i32 = arith.constant 0 : i32
    %c0_i32_0 = arith.constant 0 : i32
    %c0_i32_1 = arith.constant 0 : i32
    return %arg0, %arg1, %c0_i32, %c0_i32_0 : i32, i32, i32, i32
  }
  func.func @transform_1(%arg0: i32, %arg1: i32) -> (i32, i32, i32, i32) {
    %c0_i32 = arith.constant 0 : i32
    %c0_i32_0 = arith.constant 0 : i32
    %c0_i32_1 = arith.constant 0 : i32
    return %arg0, %arg1, %c0_i32, %c0_i32_0 : i32, i32, i32, i32
  }
}

module attributes {stable_mosaic.version = 14 : i64} {
  func.func @_attn_body(%arg0: i32, %arg1: memref<1x4096x208xf32, #tpu.memory_space<vmem>>, %arg2: memref<1x4096x64xf32, #tpu.memory_space<vmem>>) attributes {dimension_semantics = [#tpu.dimension_semantics<arbitrary>], iteration_bounds = array<i64: 24>, scalar_prefetch = 0 : i64, scratch_operands = 0 : i64, tpu.core_type = #tpu.core_type<tc>, window_params = [{transform_indices = @transform_0, window_bounds = array<i64: 1, 4096, 208>}, {transform_indices = @transform_1, window_bounds = array<i64: 1, 4096, 64>}]} {
    %scan3A = arith.constant 0 : i32
    %scan3A_0 = arith.constant 64 : i32
    %scan3A_1 = arith.addi %scan3A, %scan3A_0 : i32
    %scan3A_2 = arith.constant 1 : i32
    scf.for %scan3A_4 = %scan3A to %scan3A_1 step %scan3A_2  : i32 {
      %mul3A = arith.constant 64 : i32
      %mul3A_5 = arith.muli %scan3A_4, %mul3A : i32
      %add3A = arith.constant 64 : i32
      %add3A_6 = arith.addi %scan3A_4, %add3A : i32
      %sub3A = arith.constant 1 : i32
      %sub3A_7 = arith.subi %add3A_6, %sub3A : i32
      %rem3A = arith.constant 64 : i32
      %rem3A_8 = arith.remsi %sub3A_7, %rem3A : i32
      %mul3A_9 = arith.constant 64 : i32
      %mul3A_10 = arith.muli %rem3A_8, %mul3A_9 : i32
      %get3A = arith.constant 0 : index
      %get3A_11 = arith.index_cast %mul3A_5 : i32 to index
      %get3A_12 = arith.constant 0 : index
      %get3A_13 = vector.load %arg1[%get3A, %get3A_11, %get3A_12] : memref<1x4096x208xf32, #tpu.memory_space<vmem>>, vector<1x64x64xf32>
      %get3A_14 = vector.shape_cast %get3A_13 : vector<1x64x64xf32> to vector<64x64xf32>
      %get3A_15 = arith.constant 0 : index
      %get3A_16 = arith.index_cast %mul3A_5 : i32 to index
      %get3A_17 = arith.constant 64 : index
      %get3A_18 = vector.load %arg1[%get3A_15, %get3A_16, %get3A_17] : memref<1x4096x208xf32, #tpu.memory_space<vmem>>, vector<1x64x64xf32>
      %get3A_19 = vector.shape_cast %get3A_18 : vector<1x64x64xf32> to vector<64x64xf32>
      %get3A_20 = arith.constant 0 : index
      %get3A_21 = arith.index_cast %mul3A_10 : i32 to index
      %get3A_22 = arith.constant 64 : index
      %get3A_23 = vector.load %arg1[%get3A_20, %get3A_21, %get3A_22] : memref<1x4096x208xf32, #tpu.memory_space<vmem>>, vector<1x64x64xf32>
      %get3A_24 = vector.shape_cast %get3A_23 : vector<1x64x64xf32> to vector<64x64xf32>
      %get3A_25 = arith.constant 0 : index
      %get3A_26 = arith.index_cast %mul3A_5 : i32 to index
      %get3A_27 = arith.constant 128 : index
      %get3A_28 = vector.load %arg1[%get3A_25, %get3A_26, %get3A_27] : memref<1x4096x208xf32, #tpu.memory_space<vmem>>, vector<1x64x64xf32>
      %get3A_29 = vector.shape_cast %get3A_28 : vector<1x64x64xf32> to vector<64x64xf32>
      %get3A_30 = arith.constant 0 : index
      %get3A_31 = arith.index_cast %mul3A_10 : i32 to index
      %get3A_32 = arith.constant 128 : index
      %get3A_33 = vector.load %arg1[%get3A_30, %get3A_31, %get3A_32] : memref<1x4096x208xf32, #tpu.memory_space<vmem>>, vector<1x64x64xf32>
      %get3A_34 = vector.shape_cast %get3A_33 : vector<1x64x64xf32> to vector<64x64xf32>
      %get3A_35 = arith.constant 0 : index
      %get3A_36 = arith.index_cast %mul3A_5 : i32 to index
      %get3A_37 = arith.constant 192 : index
      %get3A_38 = vector.load %arg1[%get3A_35, %get3A_36, %get3A_37] : memref<1x4096x208xf32, #tpu.memory_space<vmem>>, vector<1x64x1xf32>
      %get3A_39 = vector.shape_cast %get3A_38 : vector<1x64x1xf32> to vector<64x1xf32>
      %get3A_40 = arith.constant 0 : index
      %get3A_41 = arith.index_cast %mul3A_10 : i32 to index
      %get3A_42 = arith.constant 192 : index
      %get3A_43 = vector.load %arg1[%get3A_40, %get3A_41, %get3A_42] : memref<1x4096x208xf32, #tpu.memory_space<vmem>>, vector<1x64x1xf32>
      %get3A_44 = vector.shape_cast %get3A_43 : vector<1x64x1xf32> to vector<64x1xf32>
      %concatenate3A = tpu.concatenate %get3A_24, %get3A_19 in 0 : vector<64x64xf32>, vector<64x64xf32> -> vector<128x64xf32>
      %concatenate3A_45 = tpu.concatenate %get3A_34, %get3A_29 in 0 : vector<64x64xf32>, vector<64x64xf32> -> vector<128x64xf32>
      %concatenate3A_46 = tpu.concatenate %get3A_44, %get3A_39 in 0 : vector<64x1xf32>, vector<64x1xf32> -> vector<128x1xf32>
      %reshape3A = vector.shape_cast %concatenate3A_46 : vector<128x1xf32> to vector<1x128xf32>
      %dot_general3A = arith.constant dense<0.000000e+00> : vector<64x128xf32>
      %dot_general3A_47 = tpu.matmul %get3A_14, %concatenate3A, %dot_general3A {dimension_numbers = #tpu.dot_dimension_numbers<[1], [1], [0], [0], [0, 0, 1, 0], [], []>, transpose_lhs_hint = false} : vector<64x64xf32>, vector<128x64xf32>, vector<64x128xf32> -> vector<64x128xf32>
      %mul3A_48 = arith.constant 1.250000e-01 : f32
      %mul3A_49 = vector.broadcast %mul3A_48 : f32 to vector<64x128xf32>
      %mul3A_50 = arith.mulf %dot_general3A_47, %mul3A_49 : vector<64x128xf32>
      %eq3A = vector.broadcast %get3A_39 : vector<64x1xf32> to vector<64x128xf32>
      %eq3A_51 = vector.broadcast %reshape3A : vector<1x128xf32> to vector<64x128xf32>
      %eq3A_52 = arith.cmpf oeq, %eq3A, %eq3A_51 : vector<64x128xf32>
      %jit3A = arith.constant -1.000000e+09 : f32
      %broadcast_in_dim3A = vector.broadcast %jit3A : f32 to vector<64x128xf32>
      %select_n3A = arith.select %eq3A_52, %mul3A_50, %broadcast_in_dim3A : vector<64x128xi1>, vector<64x128xf32>
      %reduce_max3A = arith.constant dense<0xFF800000> : vector<64xf32>
      %reduce_max3A_53 = vector.multi_reduction <maximumf>, %select_n3A, %reduce_max3A [1] : vector<64x128xf32> to vector<64xf32>
      %broadcast_in_dim3A_54 = vector.shape_cast %reduce_max3A_53 : vector<64xf32> to vector<64x1xf32>
      %sub3A_55 = vector.broadcast %broadcast_in_dim3A_54 : vector<64x1xf32> to vector<64x128xf32>
      %sub3A_56 = arith.subf %select_n3A, %sub3A_55 : vector<64x128xf32>
      %exp3A = math.exp %sub3A_56 : vector<64x128xf32>
      %reduce_sum3A = arith.constant dense<0.000000e+00> : vector<64xf32>
      %reduce_sum3A_57 = vector.multi_reduction <add>, %exp3A, %reduce_sum3A [1] : vector<64x128xf32> to vector<64xf32>
      %broadcast_in_dim3A_58 = vector.shape_cast %reduce_sum3A_57 : vector<64xf32> to vector<64x1xf32>
      %div3A = vector.broadcast %broadcast_in_dim3A_58 : vector<64x1xf32> to vector<64x128xf32>
      %div3A_59 = arith.divf %exp3A, %div3A : vector<64x128xf32>
      %dot_general3A_60 = arith.constant dense<0.000000e+00> : vector<64x64xf32>
      %dot_general3A_61 = tpu.matmul %div3A_59, %concatenate3A_45, %dot_general3A_60 {dimension_numbers = #tpu.dot_dimension_numbers<[1], [0], [0], [1], [0, 0, 1, 1], [], []>, transpose_lhs_hint = false} : vector<64x128xf32>, vector<128x64xf32>, vector<64x64xf32> -> vector<64x64xf32>
      %swap3A = arith.constant 0 : index
      %swap3A_62 = arith.index_cast %mul3A_5 : i32 to index
      %swap3A_63 = arith.constant 0 : index
      %swap3A_64 = vector.load %arg2[%swap3A, %swap3A_62, %swap3A_63] : memref<1x4096x64xf32, #tpu.memory_space<vmem>>, vector<1x64x64xf32>
      %swap3A_65 = vector.shape_cast %swap3A_64 : vector<1x64x64xf32> to vector<64x64xf32>
      %swap3A_66 = vector.shape_cast %dot_general3A_61 : vector<64x64xf32> to vector<1x64x64xf32>
      tpu.vector_store %arg2[%swap3A, %swap3A_62, %swap3A_63], %swap3A_66 {strides = array<i32>} : memref<1x4096x64xf32, #tpu.memory_space<vmem>>, vector<1x64x64xf32>,
    }
    %scan3A_3 = arith.constant 64 : i32
    return
  }
  func.func @transform_0(%arg0: i32) -> (i32, i32, i32) {
    %c0_i32 = arith.constant 0 : i32
    %c0_i32_0 = arith.constant 0 : i32
    %c0_i32_1 = arith.constant 0 : i32
    return %arg0, %c0_i32, %c0_i32_0 : i32, i32, i32
  }
  func.func @transform_1(%arg0: i32) -> (i32, i32, i32) {
    %c0_i32 = arith.constant 0 : i32
    %c0_i32_0 = arith.constant 0 : i32
    %c0_i32_1 = arith.constant 0 : i32
    return %arg0, %c0_i32, %c0_i32_0 : i32, i32, i32
  }
}

module attributes {stable_mosaic.version = 14 : i64} {
  func.func @_mm_body_ln(%arg0: i32, %arg1: memref<256x768xf32, #tpu.memory_space<vmem>>, %arg2: memref<768x768xf32, #tpu.memory_space<vmem>>, %arg3: memref<1x768xf32, #tpu.memory_space<vmem>>, %arg4: memref<1x768xf32, #tpu.memory_space<vmem>>, %arg5: memref<1x768xf32, #tpu.memory_space<vmem>>, %arg6: memref<256x768xf32, #tpu.memory_space<vmem>>) attributes {dimension_semantics = [#tpu.dimension_semantics<arbitrary>], iteration_bounds = array<i64: 32>, scalar_prefetch = 0 : i64, scratch_operands = 0 : i64, tpu.core_type = #tpu.core_type<tc>, window_params = [{transform_indices = @transform_0, window_bounds = array<i64: 256, 768>}, {pipeline_mode = #tpu.pipeline_mode<synchronous>, transform_indices = @transform_1, window_bounds = array<i64: 768, 768>}, {pipeline_mode = #tpu.pipeline_mode<synchronous>, transform_indices = @transform_2, window_bounds = array<i64: 1, 768>}, {pipeline_mode = #tpu.pipeline_mode<synchronous>, transform_indices = @transform_3, window_bounds = array<i64: 1, 768>}, {pipeline_mode = #tpu.pipeline_mode<synchronous>, transform_indices = @transform_4, window_bounds = array<i64: 1, 768>}, {transform_indices = @transform_5, window_bounds = array<i64: 256, 768>}]} {
    %get3A = arith.constant 0 : index
    %get3A_0 = arith.constant 0 : index
    %get3A_1 = vector.load %arg1[%get3A, %get3A_0] : memref<256x768xf32, #tpu.memory_space<vmem>>, vector<256x768xf32>
    %get3A_2 = arith.constant 0 : index
    %get3A_3 = arith.constant 0 : index
    %get3A_4 = vector.load %arg2[%get3A_2, %get3A_3] : memref<768x768xf32, #tpu.memory_space<vmem>>, vector<768x768xf32>
    %dot_general3A = arith.constant dense<0.000000e+00> : vector<256x768xf32>
    %dot_general3A_5 = tpu.matmul %get3A_1, %get3A_4, %dot_general3A {dimension_numbers = #tpu.dot_dimension_numbers<[1], [0], [0], [1], [0, 0, 1, 1], [], []>, transpose_lhs_hint = false} : vector<256x768xf32>, vector<768x768xf32>, vector<256x768xf32> -> vector<256x768xf32>
    %get3A_6 = arith.constant 0 : index
    %get3A_7 = arith.constant 0 : index
    %get3A_8 = vector.load %arg3[%get3A_6, %get3A_7] : memref<1x768xf32, #tpu.memory_space<vmem>>, vector<1x768xf32>
    %add3A = vector.broadcast %get3A_8 : vector<1x768xf32> to vector<256x768xf32>
    %add3A_9 = arith.addf %dot_general3A_5, %add3A : vector<256x768xf32>
    %reduce_sum3A = arith.constant dense<0.000000e+00> : vector<256xf32>
    %reduce_sum3A_10 = vector.multi_reduction <add>, %add3A_9, %reduce_sum3A [1] : vector<256x768xf32> to vector<256xf32>
    %broadcast_in_dim3A = vector.shape_cast %reduce_sum3A_10 : vector<256xf32> to vector<256x1xf32>
    %div3A = arith.constant 7.680000e+02 : f32
    %div3A_11 = vector.broadcast %div3A : f32 to vector<256x1xf32>
    %div3A_12 = arith.divf %broadcast_in_dim3A, %div3A_11 : vector<256x1xf32>
    %sub3A = vector.broadcast %div3A_12 : vector<256x1xf32> to vector<256x768xf32>
    %sub3A_13 = arith.subf %add3A_9, %sub3A : vector<256x768xf32>
    %mul3A = arith.mulf %sub3A_13, %sub3A_13 : vector<256x768xf32>
    %reduce_sum3A_14 = arith.constant dense<0.000000e+00> : vector<256xf32>
    %reduce_sum3A_15 = vector.multi_reduction <add>, %mul3A, %reduce_sum3A_14 [1] : vector<256x768xf32> to vector<256xf32>
    %broadcast_in_dim3A_16 = vector.shape_cast %reduce_sum3A_15 : vector<256xf32> to vector<256x1xf32>
    %div3A_17 = arith.constant 7.680000e+02 : f32
    %div3A_18 = vector.broadcast %div3A_17 : f32 to vector<256x1xf32>
    %div3A_19 = arith.divf %broadcast_in_dim3A_16, %div3A_18 : vector<256x1xf32>
    %add3A_20 = arith.constant 9.99999974E-6 : f32
    %add3A_21 = vector.broadcast %add3A_20 : f32 to vector<256x1xf32>
    %add3A_22 = arith.addf %div3A_19, %add3A_21 : vector<256x1xf32>
    %rsqrt3A = math.rsqrt %add3A_22 : vector<256x1xf32>
    %mul3A_23 = vector.broadcast %rsqrt3A : vector<256x1xf32> to vector<256x768xf32>
    %mul3A_24 = arith.mulf %sub3A_13, %mul3A_23 : vector<256x768xf32>
    %get3A_25 = arith.constant 0 : index
    %get3A_26 = arith.constant 0 : index
    %get3A_27 = vector.load %arg4[%get3A_25, %get3A_26] : memref<1x768xf32, #tpu.memory_space<vmem>>, vector<1x768xf32>
    %mul3A_28 = vector.broadcast %get3A_27 : vector<1x768xf32> to vector<256x768xf32>
    %mul3A_29 = arith.mulf %mul3A_24, %mul3A_28 : vector<256x768xf32>
    %get3A_30 = arith.constant 0 : index
    %get3A_31 = arith.constant 0 : index
    %get3A_32 = vector.load %arg5[%get3A_30, %get3A_31] : memref<1x768xf32, #tpu.memory_space<vmem>>, vector<1x768xf32>
    %add3A_33 = vector.broadcast %get3A_32 : vector<1x768xf32> to vector<256x768xf32>
    %add3A_34 = arith.addf %mul3A_29, %add3A_33 : vector<256x768xf32>
    %swap3A = arith.constant 0 : index
    %swap3A_35 = arith.constant 0 : index
    %swap3A_36 = vector.load %arg6[%swap3A, %swap3A_35] : memref<256x768xf32, #tpu.memory_space<vmem>>, vector<256x768xf32>
    tpu.vector_store %arg6[%swap3A, %swap3A_35], %add3A_34 {strides = array<i32>} : memref<256x768xf32, #tpu.memory_space<vmem>>, vector<256x768xf32>,
    return
  }
  func.func @transform_0(%arg0: i32) -> (i32, i32) {
    %c0_i32 = arith.constant 0 : i32
    %c0_i32_0 = arith.constant 0 : i32
    return %arg0, %c0_i32 : i32, i32
  }
  func.func @transform_1(%arg0: i32) -> (i32, i32) {
    %c0_i32 = arith.constant 0 : i32
    %c0_i32_0 = arith.constant 0 : i32
    %c0_i32_1 = arith.constant 0 : i32
    return %c0_i32, %c0_i32_0 : i32, i32
  }
  func.func @transform_2(%arg0: i32) -> (i32, i32) {
    %c0_i32 = arith.constant 0 : i32
    %c0_i32_0 = arith.constant 0 : i32
    %c0_i32_1 = arith.constant 0 : i32
    return %c0_i32, %c0_i32_0 : i32, i32
  }
  func.func @transform_3(%arg0: i32) -> (i32, i32) {
    %c0_i32 = arith.constant 0 : i32
    %c0_i32_0 = arith.constant 0 : i32
    %c0_i32_1 = arith.constant 0 : i32
    return %c0_i32, %c0_i32_0 : i32, i32
  }
  func.func @transform_4(%arg0: i32) -> (i32, i32) {
    %c0_i32 = arith.constant 0 : i32
    %c0_i32_0 = arith.constant 0 : i32
    %c0_i32_1 = arith.constant 0 : i32
    return %c0_i32, %c0_i32_0 : i32, i32
  }
  func.func @transform_5(%arg0: i32) -> (i32, i32) {
    %c0_i32 = arith.constant 0 : i32
    %c0_i32_0 = arith.constant 0 : i32
    return %arg0, %c0_i32 : i32, i32
  }
}

module attributes {stable_mosaic.version = 14 : i64} {
  func.func @_mm_body_relu(%arg0: i32, %arg1: memref<256x768xf32, #tpu.memory_space<vmem>>, %arg2: memref<768x3072xf32, #tpu.memory_space<vmem>>, %arg3: memref<1x3072xf32, #tpu.memory_space<vmem>>, %arg4: memref<256x3072xf32, #tpu.memory_space<vmem>>) attributes {dimension_semantics = [#tpu.dimension_semantics<arbitrary>], iteration_bounds = array<i64: 32>, scalar_prefetch = 0 : i64, scratch_operands = 0 : i64, tpu.core_type = #tpu.core_type<tc>, window_params = [{transform_indices = @transform_0, window_bounds = array<i64: 256, 768>}, {pipeline_mode = #tpu.pipeline_mode<synchronous>, transform_indices = @transform_1, window_bounds = array<i64: 768, 3072>}, {pipeline_mode = #tpu.pipeline_mode<synchronous>, transform_indices = @transform_2, window_bounds = array<i64: 1, 3072>}, {transform_indices = @transform_3, window_bounds = array<i64: 256, 3072>}]} {
    %get3A = arith.constant 0 : index
    %get3A_0 = arith.constant 0 : index
    %get3A_1 = vector.load %arg1[%get3A, %get3A_0] : memref<256x768xf32, #tpu.memory_space<vmem>>, vector<256x768xf32>
    %get3A_2 = arith.constant 0 : index
    %get3A_3 = arith.constant 0 : index
    %get3A_4 = vector.load %arg2[%get3A_2, %get3A_3] : memref<768x3072xf32, #tpu.memory_space<vmem>>, vector<768x3072xf32>
    %dot_general3A = arith.constant dense<0.000000e+00> : vector<256x3072xf32>
    %dot_general3A_5 = tpu.matmul %get3A_1, %get3A_4, %dot_general3A {dimension_numbers = #tpu.dot_dimension_numbers<[1], [0], [0], [1], [0, 0, 1, 1], [], []>, transpose_lhs_hint = false} : vector<256x768xf32>, vector<768x3072xf32>, vector<256x3072xf32> -> vector<256x3072xf32>
    %get3A_6 = arith.constant 0 : index
    %get3A_7 = arith.constant 0 : index
    %get3A_8 = vector.load %arg3[%get3A_6, %get3A_7] : memref<1x3072xf32, #tpu.memory_space<vmem>>, vector<1x3072xf32>
    %add3A = vector.broadcast %get3A_8 : vector<1x3072xf32> to vector<256x3072xf32>
    %add3A_9 = arith.addf %dot_general3A_5, %add3A : vector<256x3072xf32>
    %max3A = arith.constant 0.000000e+00 : f32
    %max3A_10 = vector.broadcast %max3A : f32 to vector<256x3072xf32>
    %max3A_11 = arith.maximumf %add3A_9, %max3A_10 : vector<256x3072xf32>
    %swap3A = arith.constant 0 : index
    %swap3A_12 = arith.constant 0 : index
    %swap3A_13 = vector.load %arg4[%swap3A, %swap3A_12] : memref<256x3072xf32, #tpu.memory_space<vmem>>, vector<256x3072xf32>
    tpu.vector_store %arg4[%swap3A, %swap3A_12], %max3A_11 {strides = array<i32>} : memref<256x3072xf32, #tpu.memory_space<vmem>>, vector<256x3072xf32>,
    return
  }
  func.func @transform_0(%arg0: i32) -> (i32, i32) {
    %c0_i32 = arith.constant 0 : i32
    %c0_i32_0 = arith.constant 0 : i32
    return %arg0, %c0_i32 : i32, i32
  }
  func.func @transform_1(%arg0: i32) -> (i32, i32) {
    %c0_i32 = arith.constant 0 : i32
    %c0_i32_0 = arith.constant 0 : i32
    %c0_i32_1 = arith.constant 0 : i32
    return %c0_i32, %c0_i32_0 : i32, i32
  }
  func.func @transform_2(%arg0: i32) -> (i32, i32) {
    %c0_i32 = arith.constant 0 : i32
    %c0_i32_0 = arith.constant 0 : i32
    %c0_i32_1 = arith.constant 0 : i32
    return %c0_i32, %c0_i32_0 : i32, i32
  }
  func.func @transform_3(%arg0: i32) -> (i32, i32) {
    %c0_i32 = arith.constant 0 : i32
    %c0_i32_0 = arith.constant 0 : i32
    return %arg0, %c0_i32 : i32, i32
  }
}

module attributes {stable_mosaic.version = 14 : i64} {
  func.func @_mm_body_ln(%arg0: i32, %arg1: memref<256x3072xf32, #tpu.memory_space<vmem>>, %arg2: memref<3072x768xf32, #tpu.memory_space<vmem>>, %arg3: memref<1x768xf32, #tpu.memory_space<vmem>>, %arg4: memref<1x768xf32, #tpu.memory_space<vmem>>, %arg5: memref<1x768xf32, #tpu.memory_space<vmem>>, %arg6: memref<256x768xf32, #tpu.memory_space<vmem>>) attributes {dimension_semantics = [#tpu.dimension_semantics<arbitrary>], iteration_bounds = array<i64: 32>, scalar_prefetch = 0 : i64, scratch_operands = 0 : i64, tpu.core_type = #tpu.core_type<tc>, window_params = [{transform_indices = @transform_0, window_bounds = array<i64: 256, 3072>}, {pipeline_mode = #tpu.pipeline_mode<synchronous>, transform_indices = @transform_1, window_bounds = array<i64: 3072, 768>}, {pipeline_mode = #tpu.pipeline_mode<synchronous>, transform_indices = @transform_2, window_bounds = array<i64: 1, 768>}, {pipeline_mode = #tpu.pipeline_mode<synchronous>, transform_indices = @transform_3, window_bounds = array<i64: 1, 768>}, {pipeline_mode = #tpu.pipeline_mode<synchronous>, transform_indices = @transform_4, window_bounds = array<i64: 1, 768>}, {transform_indices = @transform_5, window_bounds = array<i64: 256, 768>}]} {
    %get3A = arith.constant 0 : index
    %get3A_0 = arith.constant 0 : index
    %get3A_1 = vector.load %arg1[%get3A, %get3A_0] : memref<256x3072xf32, #tpu.memory_space<vmem>>, vector<256x3072xf32>
    %get3A_2 = arith.constant 0 : index
    %get3A_3 = arith.constant 0 : index
    %get3A_4 = vector.load %arg2[%get3A_2, %get3A_3] : memref<3072x768xf32, #tpu.memory_space<vmem>>, vector<3072x768xf32>
    %dot_general3A = arith.constant dense<0.000000e+00> : vector<256x768xf32>
    %dot_general3A_5 = tpu.matmul %get3A_1, %get3A_4, %dot_general3A {dimension_numbers = #tpu.dot_dimension_numbers<[1], [0], [0], [1], [0, 0, 1, 1], [], []>, transpose_lhs_hint = false} : vector<256x3072xf32>, vector<3072x768xf32>, vector<256x768xf32> -> vector<256x768xf32>
    %get3A_6 = arith.constant 0 : index
    %get3A_7 = arith.constant 0 : index
    %get3A_8 = vector.load %arg3[%get3A_6, %get3A_7] : memref<1x768xf32, #tpu.memory_space<vmem>>, vector<1x768xf32>
    %add3A = vector.broadcast %get3A_8 : vector<1x768xf32> to vector<256x768xf32>
    %add3A_9 = arith.addf %dot_general3A_5, %add3A : vector<256x768xf32>
    %reduce_sum3A = arith.constant dense<0.000000e+00> : vector<256xf32>
    %reduce_sum3A_10 = vector.multi_reduction <add>, %add3A_9, %reduce_sum3A [1] : vector<256x768xf32> to vector<256xf32>
    %broadcast_in_dim3A = vector.shape_cast %reduce_sum3A_10 : vector<256xf32> to vector<256x1xf32>
    %div3A = arith.constant 7.680000e+02 : f32
    %div3A_11 = vector.broadcast %div3A : f32 to vector<256x1xf32>
    %div3A_12 = arith.divf %broadcast_in_dim3A, %div3A_11 : vector<256x1xf32>
    %sub3A = vector.broadcast %div3A_12 : vector<256x1xf32> to vector<256x768xf32>
    %sub3A_13 = arith.subf %add3A_9, %sub3A : vector<256x768xf32>
    %mul3A = arith.mulf %sub3A_13, %sub3A_13 : vector<256x768xf32>
    %reduce_sum3A_14 = arith.constant dense<0.000000e+00> : vector<256xf32>
    %reduce_sum3A_15 = vector.multi_reduction <add>, %mul3A, %reduce_sum3A_14 [1] : vector<256x768xf32> to vector<256xf32>
    %broadcast_in_dim3A_16 = vector.shape_cast %reduce_sum3A_15 : vector<256xf32> to vector<256x1xf32>
    %div3A_17 = arith.constant 7.680000e+02 : f32
    %div3A_18 = vector.broadcast %div3A_17 : f32 to vector<256x1xf32>
    %div3A_19 = arith.divf %broadcast_in_dim3A_16, %div3A_18 : vector<256x1xf32>
    %add3A_20 = arith.constant 9.99999974E-6 : f32
    %add3A_21 = vector.broadcast %add3A_20 : f32 to vector<256x1xf32>
    %add3A_22 = arith.addf %div3A_19, %add3A_21 : vector<256x1xf32>
    %rsqrt3A = math.rsqrt %add3A_22 : vector<256x1xf32>
    %mul3A_23 = vector.broadcast %rsqrt3A : vector<256x1xf32> to vector<256x768xf32>
    %mul3A_24 = arith.mulf %sub3A_13, %mul3A_23 : vector<256x768xf32>
    %get3A_25 = arith.constant 0 : index
    %get3A_26 = arith.constant 0 : index
    %get3A_27 = vector.load %arg4[%get3A_25, %get3A_26] : memref<1x768xf32, #tpu.memory_space<vmem>>, vector<1x768xf32>
    %mul3A_28 = vector.broadcast %get3A_27 : vector<1x768xf32> to vector<256x768xf32>
    %mul3A_29 = arith.mulf %mul3A_24, %mul3A_28 : vector<256x768xf32>
    %get3A_30 = arith.constant 0 : index
    %get3A_31 = arith.constant 0 : index
    %get3A_32 = vector.load %arg5[%get3A_30, %get3A_31] : memref<1x768xf32, #tpu.memory_space<vmem>>, vector<1x768xf32>
    %add3A_33 = vector.broadcast %get3A_32 : vector<1x768xf32> to vector<256x768xf32>
    %add3A_34 = arith.addf %mul3A_29, %add3A_33 : vector<256x768xf32>
    %swap3A = arith.constant 0 : index
    %swap3A_35 = arith.constant 0 : index
    %swap3A_36 = vector.load %arg6[%swap3A, %swap3A_35] : memref<256x768xf32, #tpu.memory_space<vmem>>, vector<256x768xf32>
    tpu.vector_store %arg6[%swap3A, %swap3A_35], %add3A_34 {strides = array<i32>} : memref<256x768xf32, #tpu.memory_space<vmem>>, vector<256x768xf32>,
    return
  }
  func.func @transform_0(%arg0: i32) -> (i32, i32) {
    %c0_i32 = arith.constant 0 : i32
    %c0_i32_0 = arith.constant 0 : i32
    return %arg0, %c0_i32 : i32, i32
  }
  func.func @transform_1(%arg0: i32) -> (i32, i32) {
    %c0_i32 = arith.constant 0 : i32
    %c0_i32_0 = arith.constant 0 : i32
    %c0_i32_1 = arith.constant 0 : i32
    return %c0_i32, %c0_i32_0 : i32, i32
  }
  func.func @transform_2(%arg0: i32) -> (i32, i32) {
    %c0_i32 = arith.constant 0 : i32
    %c0_i32_0 = arith.constant 0 : i32
    %c0_i32_1 = arith.constant 0 : i32
    return %c0_i32, %c0_i32_0 : i32, i32
  }
  func.func @transform_3(%arg0: i32) -> (i32, i32) {
    %c0_i32 = arith.constant 0 : i32
    %c0_i32_0 = arith.constant 0 : i32
    %c0_i32_1 = arith.constant 0 : i32
    return %c0_i32, %c0_i32_0 : i32, i32
  }
  func.func @transform_4(%arg0: i32) -> (i32, i32) {
    %c0_i32 = arith.constant 0 : i32
    %c0_i32_0 = arith.constant 0 : i32
    %c0_i32_1 = arith.constant 0 : i32
    return %c0_i32, %c0_i32_0 : i32, i32
  }
  func.func @transform_5(%arg0: i32) -> (i32, i32) {
    %c0_i32 = arith.constant 0 : i32
    %c0_i32_0 = arith.constant 0 : i32
    return %arg0, %c0_i32 : i32, i32
  }
}

</mosaic_0001>

<sc_bundles>
// kernel: gather_offload_async_start.1
scs
__scs_entry_jumppad:
0x0: {  	(pc) =	sbr.rel $0x88, $3  }
0x1: {  	(tag) =	ssettag $0x0;
	lr =	simm.s32 $0x1  }
0x2: {  	[smem:$0x3F90] =	sst lr;
	_ =	strace $0xD0000000  }
0x3: {  	_ = 	snop  }
0x4: {  	_ = 	snop  }
0x5: {  	_ = 	snop  }
0x6: {  	_ = 	snop  }
0x7: {  	_ = 	snop  }
__scs_overlays_trampoline_lowered:
0x8: {  	[smem:$0x3F9F] =	sst s0  }
0x9: {  	[smem:$0x3FA0] =	sst s1  }
0xa: {  	[smem:$0x3FA1] =	sst s2  }
0xb: {  	[smem:$0x3FA2] =	sst s3  }
0xc: {  	[smem:$0x3FA3] =	sst s4  }
0xd: {  	[smem:$0x3FA4] =	sst s5  }
0xe: {  	[smem:$0x3FA5] =	sst s6  }
0xf: {  	[smem:$0x3FA6] =	sst s7  }
0x10: {  	[smem:$0x3FA7] =	sst s8  }
0x11: {  	[smem:$0x3FA8] =	sst s9;
	s0 =	simm.s32 @!p0 $0x0  }
0x12: {  	s1 =	sld [smem:$0x3F8E];
	s0 =	simm.s32 @p0 $0x1  }
0x13: {  	[smem:$0x3FA9] =	sst s0;
	s0 =	simm.s32 @!p1 $0x0  }
0x14: {  	s2 =	sld [smem:$0x3F8D];
	s0 =	simm.s32 @p1 $0x1  }
0x15: {  	[smem:$0x3FAA] =	sst s0;
	s0 =	simm.s32 @!p2 $0x0  }
0x16: {  	s3 =	sld [smem:$0x3FDB];
	s0 =	simm.s32 @p2 $0x1  }
0x17: {  	s4 =	simm.s32 $0x1BF5;
	[smem:$0x3FAC] =	sst s0  }
0x18: {  	s0 =	sld [smem:$0x3F8F];
	_ =	swait.ge [sflag:s4], $0x0  }
0x19: {  	s7 =	sld [smem:$0x3F90]  }
0x1a: {  	s8 =	sadd.s32 $0xFFFFE003, lr  }
0x1b: {  	s9 =	sadd.s32 $0xFFFFFEF7, lr;
	s5 =	simm.s32 $0xFFFFFFFF;
	p2 =	slt.u32 s8, $0xFFFFF086  }
0x1c: {  	p1 =	slt.u32 s9, $0xF7A;
	s5 =	simm.s32 @!p2 $0x0  }
0x1d: {  	s5 =	simm.s32 @p1 $0x1;
	p0 =	seq.s32 s7, s2  }
0x1e: {  	s7 =	smul.u32 @!p0 $0xF7A, s2;
	p2 =	seq.s32 @!p0 s5, $0x0  }
0x1f: {  	s9 =	smul.u32 $0xF7A, s1;
	s8 =	simm.s32 @!p0 $0x1BF5;
	p2 =	por !p2, p0  }
0x20: {  	[sflag:s8] =	ssyncset.s32 @!p0 $0xFFFFF086;
	s6 =	sadd.s32 @!p0 s3, s7;
	s7 =	simm.s32 @!p0 $0x108  }
0x21: {  	s3 =	sadd.s32 s3, s9;
	s6 =	sadd.s32 @!p0 $0x88, s6;
	s7 =	simm.s32 @p2 $0x1082  }
0x22: {  	[simem:s7], [sflag:s8] =	dma.local @!p0 [hbm:s6], $0xF7A  }
0x23: {  	s9 =	sor.u32 $0xD0000000, s2;
	s6 =	simm.s32 $0x108;
	_ =	swait.ge @!p0 [sflag:s8], $0x0  }
0x24: {  	s3 =	sadd.s32 $0x88, s3;
	s6 =	simm.s32 @!p1 $0x1082;
	[sflag:s4] =	ssyncset.s32 $0xFFFFF086  }
0x25: {  	[simem:s6], [sflag:s4] =	dma.local [hbm:s3], $0xF7A  }
0x26: {  	[smem:$0x3F90] =	sst s1;
	(tag) =	ssettag s2;
	_ =	strace s9  }
0x27: {  	s1 =	sld [smem:$0x3FA0]  }
0x28: {  	s2 =	sld [smem:$0x3FA1]  }
0x29: {  	s4 =	sld [smem:$0x3FA3]  }
0x2a: {  	p0 =	seq.s32 s5, $0x0;
	s5 =	sld [smem:$0x3FA4]  }
0x2b: {  	s6 =	sld [smem:$0x3FA5]  }
0x2c: {  	s7 =	sld [smem:$0x3FA6]  }
0x2d: {  	s3 =	simm.s32 $0x108;
	s8 =	sld [smem:$0x3FA7]  }
0x2e: {  	s3 =	simm.s32 @!p0 $0x1082;
	s9 =	sld [smem:$0x3FA8]  }
0x2f: {  	lr =	sadd.s32 s0, s3;
	s0 =	sld [smem:$0x3F9F]  }
0x30: {  	s3 =	sld [smem:$0x3FA2]  }
0x31: {  	[smem:$0x3FAB] =	sst s10  }
0x32: {  	s10 =	sld [smem:$0x3FA9];
	_ =	sdelay $0x3  }
0x33: {  	p0 =	seq.s32 s10, $0x1;
	s10 =	sld [smem:$0x3FAB];
	_ =	sdelay $0x3  }
0x34: {  	[smem:$0x3FAB] =	sst s10  }
0x35: {  	s10 =	sld [smem:$0x3FAA];
	_ =	sdelay $0x3  }
0x36: {  	p1 =	seq.s32 s10, $0x1;
	s10 =	sld [smem:$0x3FAB];
	_ =	sdelay $0x3  }
0x37: {  	[smem:$0x3FAB] =	sst s10  }
0x38: {  	s10 =	sld [smem:$0x3FAC]  }
0x39: {  	_ = 	snop;
	(pc) =	sbr.ind lr, $3  }
0x3a: {  	_ = 	snop  }
0x3b: {  	_ = 	snop  }
0x3c: {  	p2 =	seq.s32 s10, $0x1;
	s10 =	sld [smem:$0x3FAB]  }
0x3d: {  	_ =	shalt  }
0x3e: {  	_ =	shalt  }
0x3f: {  	_ =	shalt  }
0x40: {  	_ =	shalt  }
0x41: {  	_ =	shalt  }
0x42: {  	_ =	shalt  }
0x43: {  	_ =	shalt  }
0x44: {  	_ =	shalt  }
0x45: {  	_ =	shalt  }
0x46: {  	_ =	shalt  }
0x47: {  	_ =	shalt  }
0x48: {  	_ =	shalt  }
0x49: {  	_ =	shalt  }
0x4a: {  	_ =	shalt  }
0x4b: {  	_ =	shalt  }
0x4c: {  	_ =	shalt  }
0x4d: {  	_ =	shalt  }
0x4e: {  	_ =	shalt  }
0x4f: {  	_ =	shalt  }
0x50: {  	_ =	shalt  }
0x51: {  	_ =	shalt  }
0x52: {  	_ =	shalt  }
0x53: {  	_ =	shalt  }
0x54: {  	_ =	shalt  }
0x55: {  	_ =	shalt  }
0x56: {  	_ =	shalt  }
0x57: {  	_ =	shalt  }
0x58: {  	_ =	shalt  }
0x59: {  	_ =	shalt  }
0x5a: {  	_ =	shalt  }
0x5b: {  	_ =	shalt  }
0x5c: {  	_ =	shalt  }
0x5d: {  	_ =	shalt  }
0x5e: {  	_ =	shalt  }
0x5f: {  	_ =	shalt  }
0x60: {  	_ =	shalt  }
0x61: {  	_ =	shalt  }
0x62: {  	_ =	shalt  }
0x63: {  	_ =	shalt  }
0x64: {  	_ =	shalt  }
0x65: {  	_ =	shalt  }
0x66: {  	_ =	shalt  }
0x67: {  	_ =	shalt  }
0x68: {  	_ =	shalt  }
0x69: {  	_ =	shalt  }
0x6a: {  	_ =	shalt  }
0x6b: {  	_ =	shalt  }
0x6c: {  	_ =	shalt  }
0x6d: {  	_ =	shalt  }
0x6e: {  	_ =	shalt  }
0x6f: {  	_ =	shalt  }
0x70: {  	_ =	shalt  }
0x71: {  	_ =	shalt  }
0x72: {  	_ =	shalt  }
0x73: {  	_ =	shalt  }
0x74: {  	_ =	shalt  }
0x75: {  	_ =	shalt  }
0x76: {  	_ =	shalt  }
0x77: {  	_ =	shalt  }
0x78: {  	_ =	shalt  }
0x79: {  	_ =	shalt  }
0x7a: {  	_ =	shalt  }
0x7b: {  	_ =	shalt  }
0x7c: {  	_ =	shalt  }
0x7d: {  	_ =	shalt  }
0x7e: {  	_ =	shalt  }
0x7f: {  	_ =	shalt  }
0x80: {  	_ =	shalt  }
0x81: {  	_ =	shalt  }
0x82: {  	_ =	shalt  }
0x83: {  	_ =	shalt  }
0x84: {  	_ =	shalt  }
0x85: {  	_ =	shalt  }
0x86: {  	_ =	shalt  }
0x87: {  	_ =	shalt  }
.Lfunc_end0:
.L_simem_size_0:
called_computation.3_lowered:
.L_overlay_start_0:
0x88: {  	s2 =	sld [smem:$0x3FD9]  }
0x89: {  	s3 =	sld [smem:$0x3FFE];
	_ =	sdelay $0x1  }
0x8a: {  	s1 =	srdreg.scid  }
0x8b: {  	s0 =	sand.u32 $0x1, s1  }
0x8c: {  	s17 =	sshll.u32 s0, $0xA;
	s2 =	sadd.s32 s3, s2  }
0x8d: {  	s2 =	sadd.s32 s2, s17  }
0x8e: {  	[smem:$0x3FB7] =	sst s2  }
0x8f: {  	_ = 	snop  }
0x90: {  	(tm) =	ssettm $0x1  }
0x91: {  	s18 =	sld [smem:$0x3FFB];
	_ =	sdelay $0x3  }
0x92: {  	_ =	strace s18  }
0x93: {  	s2 =	sld [smem:$0x3FFC];
	_ =	sdelay $0x3  }
0x94: {  	_ =	strace s2  }
0x95: {  	s2 =	sld [smem:$0x3FFD];
	_ =	sdelay $0x3  }
0x96: {  	_ =	strace s2  }
0x97: {  	_ =	strace $0x8FFFFFFF  }
0x98: {  	s19 =	sld [smem:$0x3FDB];
	_ =	sdelay $0x1  }
0x99: {  	s20 =	simm.s32 $_scs_section_size  }
0x9a: {  	s4 =	simm.s32 $_size__tile_overlayer_lowered;
	s5 =	simm.s32 $_tile_overlayer_lowered  }
0x9b: {  	s6 =	simm.s32 $0x1BFF;
	s21 =	sshll.u32 s5, $0x1;
	s3 =	sadd.s32 s20, s19  }
0x9c: {  	s22 =	simm.s32 $0x0;
	s4 =	sshll.u32 s4, $0x1;
	s5 =	sadd.s32 s21, s3  }
0x9d: {  	[timem:s22], [sflag:s6] =	dma.local [hbm:s5], s4  }
0x9e: {  	_ =	swait.ge [sflag:s6], s4  }
0x9f: {  	s4 =	ssub.s32 $0x0, s4;
	[sflag:s6] =	ssyncset.done $0x0  }
0xa0: {  	[sflag:s6] =	ssyncadd.s32 s4;
	_ =	sdelay $0x1  }
0xa1: {  	s23 =	simm.s32 $0x1B8B  }
0xa2: {  	_ =	swait.ge [sflag:s23], $0x1  }
0xa3: {  	[sflag:s23] =	ssyncset.done $0x0  }
0xa4: {  	[sflag:s23] =	ssyncadd.s32 $0xFFFFFFFF  }
0xa5: {  	s4 =	sld [smem:$0x0]  }
0xa6: {  	s5 =	sand.u32 $0xFFFFFFFE, s1  }
0xa7: {  	p0 =	sne.s32 s1, s5  }
0xa8: {  	s5 =	sshll.u32 @p0 s5, $0xE  }
0xa9: {  	s5 =	sadd.s32 @p0 $0x11B8D, s5;
	s6 =	sshll.u32 @p0 s4, $0x11  }
0xaa: {  	s5 =	sor.u32 @p0 s6, s5  }
0xab: {  	[sflag:s5] =	ssyncadd.remote.s32 @p0 $0x1;
	_ =	sdelay $0x1  }
0xac: {  	s5 =	simm.s32 @p0 $0x1B8D  }
0xad: {  	_ =	swait.eq @p0 [sflag:s5], $0x1  }
0xae: {  	[sflag:s5] =	ssyncadd.s32 @p0 $0xFFFFFFFF  }
0xaf: {  	s6 =	sshll.u32 @!p0 s1, $0xE  }
0xb0: {  	s6 =	sor.u32 @!p0 $0x4000, s6;
	s5 =	simm.s32 @!p0 $0x1B8D  }
0xb1: {  	s4 =	sshll.u32 @!p0 s4, $0x11;
	s6 =	sadd.s32 @!p0 $0x11B8D, s6;
	_ =	swait.eq @!p0 [sflag:s5], $0x1  }
0xb2: {  	s4 =	sor.u32 @!p0 s4, s6;
	[sflag:s5] =	ssyncadd.s32 @!p0 $0xFFFFFFFF  }
0xb3: {  	s25 =	simm.s32 $0x1B8E;
	s24 =	sld [smem:$0x3FFE];
	[sflag:s4] =	ssyncadd.remote.s32 @!p0 $0x1  }
0xb4: {  	s26 =	simm.s32 $execute0_lowered;
	[smem:$0x3FD2] =	sst s25  }
0xb5: {  	s5 =	sshll.u32 s26, $0x1;
	_ =	strace $0x80000049;
	[dreg:$0x1] =	wrdreg $0xFFFFFFFF  }
0xb6: {  	s28 =	simm.s32 $_size_execute0_lowered;
	s3 =	sadd.s32 s3, s5;
	[dreg:$0x0] =	wrdreg $0x0  }
0xb7: {  	s5 =	sshll.u32 s28, $0x1;
	[dreg:$0x2] =	wrdreg s3  }
0xb8: {  	[dreg:$0x3] =	wrdreg s5  }
0xb9: {  	[dreg:$0x4] =	wrdreg $0xC0  }
0xba: {  	_ =	task [dreg:s22], $0x5FFFF  }
0xbb: {  	[dreg:$0x1] =	wrdreg $0xFFFFFFFF  }
0xbc: {  	[dreg:$0x0] =	wrdreg $0x60  }
0xbd: {  	[dreg:$0x2] =	wrdreg s24  }
0xbe: {  	[dreg:$0x3] =	wrdreg $0x9  }
0xbf: {  	_ =	task.clear_ibuf [dreg:s22], $0x4FFFF;
	_ =	strace $0x90000049  }
0xc0: {  	s29 =	simm.s32 $0x9;
	_ =	strace $0x8000004B  }
0xc1: {  	_ =	swait.ge [sflag:s29], $0x1  }
0xc2: {  	[sflag:s29] =	ssyncadd.s32 $0xFFFFFFFF  }
0xc3: {  	_ =	strace $0x9000004B  }
0xc4: {  	_ =	sfence  }
0xc5: {  	s30 =	sld [smem:$0x0];
	_ =	sdelay $0x2  }
0xc6: {  	s31 =	sshll.u32 s1, $0xD;
	s1 =	sshrl.u32 s1, $0x2  }
0xc7: {  	s4 =	sand.u32 $0x4000, s31;
	s1 =	sadd.s32 s1, s30  }
0xc8: {  	s0 =	sor.u32 s4, s0;
	s1 =	sshll.u32 s1, $0x11  }
0xc9: {  	s0 =	sor.u32 s1, s0  }
0xca: {  	s0 =	sadd.s32 $0x8F2B, s0  }
0xcb: {  	[sflag:s0] =	ssyncadd.remote.s32 $0x1  }
0xcc: {  	_ =	sfence.sel $0xFFFF  }
0xcd: {  	[dreg:$0x0] =	wrdreg $0xFFFFFFFF;
	(pc) =	sbr.abs _section_cstart, $3  }
0xce: {  	[dreg:$0x1] =	wrdreg $0xFFFFFFFF  }
0xcf: {  	_ =	task.clear_ibuf [dreg:s22], $0x2FFFF;
	_ =	strace $0x9FFFFFFF  }
0xd0: {  	(tm) =	ssettm $0x7FFFFFFF  }
0xd1: {  	_ =	shalt  }
tec
execute0_lowered:
.L_overlay_start_1:
0x0: {  	(tag) =	ssettag $0x1  }
0x1: {  	s7 =	rddreg [dreg:$0x0]  }
0x2: {  	s1 =	srdreg.scid;
	s0 =	rddreg [dreg:$0x1]  }
0x3: {  	_ =	strace $0x8000004A;
	s3 =	simm.s32 $0x1;
	s5 =	simm.s32 $0x2  }
0x4: {  	s9 =	simm.s32 $0x3;
	s11 =	simm.s32 $0x0;
	s2 =	sshll.u32 s1, $0x4  }
.Ltmp0:
0x5: {  	s1 =	stileid.u32;
	s4 =	sand.u32 $0x10, s2;
	(pc) =	sbr.rel .LBB2_1-.Ltmp0, $4  }
0x6: {  	p0 =	por $0x0, $0x0;
	[sflag:s3] =	ssyncpa.u1 $0x0;
	s4 =	sor.u32 s1, s4  }
0x7: {  	s6 =	sadd.s32 $0x7600, s7;
	[sflag:s5] =	ssyncpa.u1 $0x0;
	s4 =	smul.u32 $0xC00, s4  }
0x8: {  	s2 =	sadd.s32 $0x1BA800, s7;
	s7 =	sadd.s32 $0x33AA00, s7;
	[sflag:s9] =	ssyncpa.u1 $0x0  }
0x9: {  	vm0 =	vmmov $0xff;
	vm1 =	vcmask $0x3F20;
	s9 =	simm.s32 $0x0;
	s8 =	sadd.s32 $0xC00, s4;
	s10 =	smov.u32 s4  }
.LBB2_6:
0xa: {  	[hbm:s15] =	stream.linear.scatter [tilespmem:s12], [sflag:$0x3], $0x400, $0x38;
	[tilespmem:$0x18300] =	vst v63  }
.LBB2_7:
0xb: {  	p1 =	slt.u32 s9, $0x2;
	s11 =	sadd.s32 $0x180, s10  }
0xc: {  	s13 =	smov.u32 s4;
	s9 =	sadd.s32 $0x1, s9;
	p2 =	slt.s32 s11, s8  }
0xd: {  	s13 =	smov.u32 @p2 s11;
	p2 =	sne.s32 s9, $0xA  }
.Ltmp1:
0xe: {  	_ = 	snop;
	(pc) =	sbr.rel @!p2 .LBB2_8-.Ltmp1, $4  }
0xf: {  	s12 =	simm.s32 @!p1 $0x3  }
0x10: {  	_ =	swait.ge @!p1 [sflag:s12], $0xC000  }
0x11: {  	p0 =	por !p0, !p0;
	[sflag:s12] =	ssyncset.done @!p1 $0x0  }
0x12: {  	s11 =	smov.u32 s10;
	s10 =	smov.u32 s13;
	[sflag:s12] =	ssyncadd.s32 @!p1 $0xFFFF4000  }
.LBB2_1:
0x13: {  	p1 =	sgt.u32 s9, $0x7  }
0x14: {  	s12 =	sxor.u32 @!p1 $0xFFFFFFFF, s9  }
0x15: {  	s12 =	sand.u32 @!p1 $0x1, s12  }
0x16: {  	s12 =	smul.u32 @!p1 $0x600, s12  }
0x17: {  	s31 =	sadd.s32 $0xFFFFFFFF, s9;
	s13 =	sshrl.u32 @!p1 s10, $0x3  }
0x18: {  	s14 =	sand.u32 @!p1 $0x7, s10;
	s13 =	sadd.s32 @!p1 s6, s13;
	s12 =	sshrl.u32 @!p1 s12, $0x2  }
0x19: {  	[tilespmem:s12], [sflag:$0x2] =	stream.linear.gather @!p1 [hbm4b:s13+s14], $0x180, $0x38;
	[tilespmem:$0x18300] =	vst v63  }
0x1a: {  	p1 =	sgt.u32 s31, $0x7  }
.Ltmp2:
0x1b: {  	_ = 	snop;
	(pc) =	sbr.rel @p1 .LBB2_7-.Ltmp2, $1  }
0x1c: {  	_ =	sdelay $0x3  }
0x1d: {  	s12 =	simm.s32 $0x1  }
0x1e: {  	s12 =	simm.s32 @!p0 $0x0  }
0x1f: {  	s13 =	smul.u32 $0x600, s12  }
0x20: {  	_ =	swait.ge [sflag:s5], $0x180  }
0x21: {  	[sflag:s5] =	ssyncset.done $0x0;
	s14 =	sshrl.u32 s13, $0x2  }
0x22: {  	[sflag:s5] =	ssyncadd.s32 $0xFFFFFE80;
	s13 =	sadd.s32 $0x0, s14  }
0x23: {  	v0 =	vld.msk [tilespmem:s13+$0x0 ss:$0x1], $0xffff;
	_ =	sdelay $0x4  }
0x24: {  	vm2 =	vgt.s32 v0, $0x0  }
0x25: {  	v0 =	vnsel vm2, $0x0, v0  }
0x26: {  	v0 =	vmin.u32 v0, $0x17FFF  }
0x27: {  	v0 =	vshll.u32 v0, $0x4  }
0x28: {  	s12 =	smul.u32 $0x30000, s12;
	_ =	sdelay $0x1  }
0x29: {  	s12 =	sshrl.u32 s12, $0x2  }
0x2a: {  	s12 =	sor.u32 $0x300, s12  }
0x2b: {  	[tilespmem:s12], [sflag:$0x1] =	stream.indirect_vreg.gather [hbm:s2], $0x80, v0, vm0, $0x38;
	[tilespmem:$0x18300] =	vst v63  }
0x2c: {  	s15 =	sadd.s32 $0x10, s14;
	s13 =	sadd.s32 $0x400, s12  }
0x2d: {  	[tilespmem:s13], [sflag:$0x1] =	stream.indirect_vreg.gather [hbm:s2], $0x80, v0, vm1, $0x38;
	[tilespmem:$0x18300] =	vst v63  }
0x2e: {  	s16 =	simm.s32 $0x80;
	v0 =	vld.msk [tilespmem:s15+$0x0 ss:$0x1], $0xffff;
	s15 =	smov.u32 s12  }
.LBB2_3:
0x2f: {  	p1 =	sne.s32 s16, $0x5C0;
	_ =	sdelay $0x4  }
0x30: {  	vm2 =	vgt.s32 v0, $0x0  }
0x31: {  	v0 =	vnsel vm2, $0x0, v0  }
0x32: {  	v0 =	vmin.u32 v0, $0x17FFF  }
0x33: {  	v0 =	vshll.u32 v0, $0x4;
	_ =	sdelay $0x3  }
.Ltmp3:
0x34: {  	s17 =	sshra.s32 s16, $0x2;
	s15 =	sadd.s32 $0x800, s15;
	(pc) =	sbr.rel @p1 .LBB2_3-.Ltmp3, $4  }
0x35: {  	[tilespmem:s15], [sflag:$0x1] =	stream.indirect_vreg.gather [hbm:s2], $0x80, v0, vm0, $0x38;
	[tilespmem:$0x18300] =	vst v63  }
0x36: {  	s17 =	sadd.s32 s17, s14;
	s18 =	sadd.s32 $0x400, s15  }
0x37: {  	[tilespmem:s18], [sflag:$0x1] =	stream.indirect_vreg.gather [hbm:s2], $0x80, v0, vm1, $0x38;
	[tilespmem:$0x18300] =	vst v63  }
0x38: {  	s16 =	sadd.s32 $0x40, s16;
	v0 =	vld.msk [tilespmem:s17+$0x0 ss:$0x1], $0xffff  }
0x39: {  	_ =	sdelay $0x3  }
0x3a: {  	vm2 =	vgt.s32 v0, $0x0  }
0x3b: {  	v0 =	vnsel vm2, $0x0, v0  }
0x3c: {  	v0 =	vmin.u32 v0, $0x17FFF  }
0x3d: {  	v0 =	vshll.u32 v0, $0x4;
	_ =	sdelay $0x3  }
0x3e: {  	s14 =	sadd.s32 $0x800, s15  }
0x3f: {  	[tilespmem:s14], [sflag:$0x1] =	stream.indirect_vreg.gather [hbm:s2], $0x80, v0, vm0, $0x38;
	[tilespmem:$0x18300] =	vst v63  }
0x40: {  	s14 =	sadd.s32 $0x400, s14  }
0x41: {  	[tilespmem:s14], [sflag:$0x1] =	stream.indirect_vreg.gather [hbm:s2], $0x80, v0, vm1, $0x38;
	[tilespmem:$0x18300] =	vst v63  }
0x42: {  	s11 =	sshll.u32 s11, $0x4;
	_ =	swait.ge [sflag:s3], $0xC000  }
0x43: {  	s11 =	sadd.s32 s11, s7;
	[sflag:s3] =	ssyncset.done $0x0  }
0x44: {  	s15 =	sadd.s32 $0x0, s11;
	s14 =	simm.s32 $0x80;
	[sflag:s3] =	ssyncadd.s32 $0xFFFF4000  }
.LBB2_5:
0x45: {  	[hbm:s15] =	stream.linear.scatter [tilespmem:s12], [sflag:$0x3], $0x400, $0x38;
	[tilespmem:$0x18300] =	vst v63  }
0x46: {  	s15 =	smov.u32 s14;
	s12 =	smov.u32 s13;
	p1 =	sne.s32 s14, $0x1780  }
.Ltmp4:
0x47: {  	s14 =	sadd.s32 $0x80, s14;
	(pc) =	sbr.rel @p1 .LBB2_5-.Ltmp4, $2  }
0x48: {  	_ =	sdelay $0x2  }
0x49: {  	s13 =	sadd.s32 $0x400, s13;
	s15 =	sadd.s32 s15, s11  }
.Ltmp5:
0x4a: {  	_ = 	snop;
	(pc) =	sbr.rel .LBB2_6-.Ltmp5, $1  }
0x4b: {  	_ =	sdelay $0x3  }
.LBB2_8:
0x4c: {  	_ =	sfence.sel $0x180000  }
0x4d: {  	s2 =	simm.s32 $0x2;
	[bflag:$0x0] =	sbarrier.arrive $0xFFFF  }
0x4e: {  	s30 =	simm.s32 $0x3;
	[sflag:s2] =	ssyncpa.u1 $0x1  }
0x4f: {  	s31 =	simm.s32 $0x1;
	[sflag:s30] =	ssyncpa.u1 $0x1  }
0x50: {  	[sflag:s31] =	ssyncpa.u1 $0x1  }
0x51: {  	p0 =	sne.s32 s1, $0x0;
	_ =	strace $0x9000004A  }
0x52: {  	s0 =	sadd.s32 @!p0 $0x100000, s0;
	[bflag:$0x2] =	sbarrier.arrive $0xFFFF  }
0x53: {  	[sflag:s0] =	ssyncadd.tile.s32 @!p0 $0x1;
	_ =	shalt  }
.Lfunc_end2:
_tile_overlayer_lowered:
.L_overlay_start_2:
0x54: {  	(tag) =	ssettag $0x2  }
0x55: {  	s0 =	rddreg [dreg:$0x0];
	s2 =	stileid.u32  }
0x56: {  	s1 =	rddreg [dreg:$0x1];
	p0 =	sne.s32 s2, $0x0  }
0x57: {  	s3 =	rddreg [dreg:$0x2];
	[bflag:$0x3] =	sbarrier.arrive $0xFFFF;
	s2 =	simm.s32 @!p0 $0x1C01  }
0x58: {  	[timem:s3], [sflag:s2] =	dma.local @!p0 [hbm:s0], s1  }
0x59: {  	s0 =	simm.s32 @!p0 $0x1  }
0x5a: {  	_ =	swait.ge @!p0 [sflag:s0], s1  }
0x5b: {  	s1 =	ssub.s32 @!p0 $0x0, s1;
	[sflag:s0] =	ssyncset.done @!p0 $0x0  }
0x5c: {  	[sflag:s0] =	ssyncadd.s32 @!p0 s1  }
0x5d: {  	[bflag:$0x3] =	sbarrier.arrive $0xFFFF  }
0x5e: {  	_ =	shalt  }

// kernel: gather_offload_async_start.2
scs
__scs_entry_jumppad:
0x0: {  	(pc) =	sbr.rel $0x88, $3  }
0x1: {  	(tag) =	ssettag $0x0;
	lr =	simm.s32 $0x1  }
0x2: {  	[smem:$0x3F90] =	sst lr;
	_ =	strace $0xD0000000  }
0x3: {  	_ = 	snop  }
0x4: {  	_ = 	snop  }
0x5: {  	_ = 	snop  }
0x6: {  	_ = 	snop  }
0x7: {  	_ = 	snop  }
__scs_overlays_trampoline_lowered:
0x8: {  	[smem:$0x3F9F] =	sst s0  }
0x9: {  	[smem:$0x3FA0] =	sst s1  }
0xa: {  	[smem:$0x3FA1] =	sst s2  }
0xb: {  	[smem:$0x3FA2] =	sst s3  }
0xc: {  	[smem:$0x3FA3] =	sst s4  }
0xd: {  	[smem:$0x3FA4] =	sst s5  }
0xe: {  	[smem:$0x3FA5] =	sst s6  }
0xf: {  	[smem:$0x3FA6] =	sst s7  }
0x10: {  	[smem:$0x3FA7] =	sst s8  }
0x11: {  	[smem:$0x3FA8] =	sst s9;
	s0 =	simm.s32 @!p0 $0x0  }
0x12: {  	s1 =	sld [smem:$0x3F8E];
	s0 =	simm.s32 @p0 $0x1  }
0x13: {  	[smem:$0x3FA9] =	sst s0;
	s0 =	simm.s32 @!p1 $0x0  }
0x14: {  	s2 =	sld [smem:$0x3F8D];
	s0 =	simm.s32 @p1 $0x1  }
0x15: {  	[smem:$0x3FAA] =	sst s0;
	s0 =	simm.s32 @!p2 $0x0  }
0x16: {  	s3 =	sld [smem:$0x3FDB];
	s0 =	simm.s32 @p2 $0x1  }
0x17: {  	s4 =	simm.s32 $0x1BF5;
	[smem:$0x3FAC] =	sst s0  }
0x18: {  	s0 =	sld [smem:$0x3F8F];
	_ =	swait.ge [sflag:s4], $0x0  }
0x19: {  	s7 =	sld [smem:$0x3F90]  }
0x1a: {  	s8 =	sadd.s32 $0xFFFFE003, lr  }
0x1b: {  	s9 =	sadd.s32 $0xFFFFFEF7, lr;
	s5 =	simm.s32 $0xFFFFFFFF;
	p2 =	slt.u32 s8, $0xFFFFF086  }
0x1c: {  	p1 =	slt.u32 s9, $0xF7A;
	s5 =	simm.s32 @!p2 $0x0  }
0x1d: {  	s5 =	simm.s32 @p1 $0x1;
	p0 =	seq.s32 s7, s2  }
0x1e: {  	s7 =	smul.u32 @!p0 $0xF7A, s2;
	p2 =	seq.s32 @!p0 s5, $0x0  }
0x1f: {  	s9 =	smul.u32 $0xF7A, s1;
	s8 =	simm.s32 @!p0 $0x1BF5;
	p2 =	por !p2, p0  }
0x20: {  	[sflag:s8] =	ssyncset.s32 @!p0 $0xFFFFF086;
	s6 =	sadd.s32 @!p0 s3, s7;
	s7 =	simm.s32 @!p0 $0x108  }
0x21: {  	s3 =	sadd.s32 s3, s9;
	s6 =	sadd.s32 @!p0 $0x88, s6;
	s7 =	simm.s32 @p2 $0x1082  }
0x22: {  	[simem:s7], [sflag:s8] =	dma.local @!p0 [hbm:s6], $0xF7A  }
0x23: {  	s9 =	sor.u32 $0xD0000000, s2;
	s6 =	simm.s32 $0x108;
	_ =	swait.ge @!p0 [sflag:s8], $0x0  }
0x24: {  	s3 =	sadd.s32 $0x88, s3;
	s6 =	simm.s32 @!p1 $0x1082;
	[sflag:s4] =	ssyncset.s32 $0xFFFFF086  }
0x25: {  	[simem:s6], [sflag:s4] =	dma.local [hbm:s3], $0xF7A  }
0x26: {  	[smem:$0x3F90] =	sst s1;
	(tag) =	ssettag s2;
	_ =	strace s9  }
0x27: {  	s1 =	sld [smem:$0x3FA0]  }
0x28: {  	s2 =	sld [smem:$0x3FA1]  }
0x29: {  	s4 =	sld [smem:$0x3FA3]  }
0x2a: {  	p0 =	seq.s32 s5, $0x0;
	s5 =	sld [smem:$0x3FA4]  }
0x2b: {  	s6 =	sld [smem:$0x3FA5]  }
0x2c: {  	s7 =	sld [smem:$0x3FA6]  }
0x2d: {  	s3 =	simm.s32 $0x108;
	s8 =	sld [smem:$0x3FA7]  }
0x2e: {  	s3 =	simm.s32 @!p0 $0x1082;
	s9 =	sld [smem:$0x3FA8]  }
0x2f: {  	lr =	sadd.s32 s0, s3;
	s0 =	sld [smem:$0x3F9F]  }
0x30: {  	s3 =	sld [smem:$0x3FA2]  }
0x31: {  	[smem:$0x3FAB] =	sst s10  }
0x32: {  	s10 =	sld [smem:$0x3FA9];
	_ =	sdelay $0x3  }
0x33: {  	p0 =	seq.s32 s10, $0x1;
	s10 =	sld [smem:$0x3FAB];
	_ =	sdelay $0x3  }
0x34: {  	[smem:$0x3FAB] =	sst s10  }
0x35: {  	s10 =	sld [smem:$0x3FAA];
	_ =	sdelay $0x3  }
0x36: {  	p1 =	seq.s32 s10, $0x1;
	s10 =	sld [smem:$0x3FAB];
	_ =	sdelay $0x3  }
0x37: {  	[smem:$0x3FAB] =	sst s10  }
0x38: {  	s10 =	sld [smem:$0x3FAC]  }
0x39: {  	_ = 	snop;
	(pc) =	sbr.ind lr, $3  }
0x3a: {  	_ = 	snop  }
0x3b: {  	_ = 	snop  }
0x3c: {  	p2 =	seq.s32 s10, $0x1;
	s10 =	sld [smem:$0x3FAB]  }
0x3d: {  	_ =	shalt  }
0x3e: {  	_ =	shalt  }
0x3f: {  	_ =	shalt  }
0x40: {  	_ =	shalt  }
0x41: {  	_ =	shalt  }
0x42: {  	_ =	shalt  }
0x43: {  	_ =	shalt  }
0x44: {  	_ =	shalt  }
0x45: {  	_ =	shalt  }
0x46: {  	_ =	shalt  }
0x47: {  	_ =	shalt  }
0x48: {  	_ =	shalt  }
0x49: {  	_ =	shalt  }
0x4a: {  	_ =	shalt  }
0x4b: {  	_ =	shalt  }
0x4c: {  	_ =	shalt  }
0x4d: {  	_ =	shalt  }
0x4e: {  	_ =	shalt  }
0x4f: {  	_ =	shalt  }
0x50: {  	_ =	shalt  }
0x51: {  	_ =	shalt  }
0x52: {  	_ =	shalt  }
0x53: {  	_ =	shalt  }
0x54: {  	_ =	shalt  }
0x55: {  	_ =	shalt  }
0x56: {  	_ =	shalt  }
0x57: {  	_ =	shalt  }
0x58: {  	_ =	shalt  }
0x59: {  	_ =	shalt  }
0x5a: {  	_ =	shalt  }
0x5b: {  	_ =	shalt  }
0x5c: {  	_ =	shalt  }
0x5d: {  	_ =	shalt  }
0x5e: {  	_ =	shalt  }
0x5f: {  	_ =	shalt  }
0x60: {  	_ =	shalt  }
0x61: {  	_ =	shalt  }
0x62: {  	_ =	shalt  }
0x63: {  	_ =	shalt  }
0x64: {  	_ =	shalt  }
0x65: {  	_ =	shalt  }
0x66: {  	_ =	shalt  }
0x67: {  	_ =	shalt  }
0x68: {  	_ =	shalt  }
0x69: {  	_ =	shalt  }
0x6a: {  	_ =	shalt  }
0x6b: {  	_ =	shalt  }
0x6c: {  	_ =	shalt  }
0x6d: {  	_ =	shalt  }
0x6e: {  	_ =	shalt  }
0x6f: {  	_ =	shalt  }
0x70: {  	_ =	shalt  }
0x71: {  	_ =	shalt  }
0x72: {  	_ =	shalt  }
0x73: {  	_ =	shalt  }
0x74: {  	_ =	shalt  }
0x75: {  	_ =	shalt  }
0x76: {  	_ =	shalt  }
0x77: {  	_ =	shalt  }
0x78: {  	_ =	shalt  }
0x79: {  	_ =	shalt  }
0x7a: {  	_ =	shalt  }
0x7b: {  	_ =	shalt  }
0x7c: {  	_ =	shalt  }
0x7d: {  	_ =	shalt  }
0x7e: {  	_ =	shalt  }
0x7f: {  	_ =	shalt  }
0x80: {  	_ =	shalt  }
0x81: {  	_ =	shalt  }
0x82: {  	_ =	shalt  }
0x83: {  	_ =	shalt  }
0x84: {  	_ =	shalt  }
0x85: {  	_ =	shalt  }
0x86: {  	_ =	shalt  }
0x87: {  	_ =	shalt  }
.Lfunc_end0:
.L_simem_size_0:
called_computation.4_lowered:
.L_overlay_start_0:
0x88: {  	s2 =	sld [smem:$0x3FD9]  }
0x89: {  	s3 =	sld [smem:$0x3FFE];
	_ =	sdelay $0x1  }
0x8a: {  	s1 =	srdreg.scid  }
0x8b: {  	s0 =	sand.u32 $0x1, s1  }
0x8c: {  	s17 =	sshll.u32 s0, $0xA;
	s2 =	sadd.s32 s3, s2  }
0x8d: {  	s2 =	sadd.s32 s2, s17  }
0x8e: {  	[smem:$0x3FB7] =	sst s2  }
0x8f: {  	_ = 	snop  }
0x90: {  	(tm) =	ssettm $0x1  }
0x91: {  	s18 =	sld [smem:$0x3FFB];
	_ =	sdelay $0x3  }
0x92: {  	_ =	strace s18  }
0x93: {  	s2 =	sld [smem:$0x3FFC];
	_ =	sdelay $0x3  }
0x94: {  	_ =	strace s2  }
0x95: {  	s2 =	sld [smem:$0x3FFD];
	_ =	sdelay $0x3  }
0x96: {  	_ =	strace s2  }
0x97: {  	_ =	strace $0x8FFFFFFF  }
0x98: {  	s19 =	sld [smem:$0x3FDB];
	_ =	sdelay $0x1  }
0x99: {  	s20 =	simm.s32 $_scs_section_size  }
0x9a: {  	s4 =	simm.s32 $_size__tile_overlayer_lowered;
	s5 =	simm.s32 $_tile_overlayer_lowered  }
0x9b: {  	s6 =	simm.s32 $0x1BFF;
	s21 =	sshll.u32 s5, $0x1;
	s3 =	sadd.s32 s20, s19  }
0x9c: {  	s22 =	simm.s32 $0x0;
	s4 =	sshll.u32 s4, $0x1;
	s5 =	sadd.s32 s21, s3  }
0x9d: {  	[timem:s22], [sflag:s6] =	dma.local [hbm:s5], s4  }
0x9e: {  	_ =	swait.ge [sflag:s6], s4  }
0x9f: {  	s4 =	ssub.s32 $0x0, s4;
	[sflag:s6] =	ssyncset.done $0x0  }
0xa0: {  	[sflag:s6] =	ssyncadd.s32 s4;
	_ =	sdelay $0x1  }
0xa1: {  	s23 =	simm.s32 $0x1B8B  }
0xa2: {  	_ =	swait.ge [sflag:s23], $0x1  }
0xa3: {  	[sflag:s23] =	ssyncset.done $0x0  }
0xa4: {  	[sflag:s23] =	ssyncadd.s32 $0xFFFFFFFF  }
0xa5: {  	s4 =	sld [smem:$0x0]  }
0xa6: {  	s5 =	sand.u32 $0xFFFFFFFE, s1  }
0xa7: {  	p0 =	sne.s32 s1, s5  }
0xa8: {  	s5 =	sshll.u32 @p0 s5, $0xE  }
0xa9: {  	s5 =	sadd.s32 @p0 $0x11B8D, s5;
	s6 =	sshll.u32 @p0 s4, $0x11  }
0xaa: {  	s5 =	sor.u32 @p0 s6, s5  }
0xab: {  	[sflag:s5] =	ssyncadd.remote.s32 @p0 $0x1;
	_ =	sdelay $0x1  }
0xac: {  	s5 =	simm.s32 @p0 $0x1B8D  }
0xad: {  	_ =	swait.eq @p0 [sflag:s5], $0x1  }
0xae: {  	[sflag:s5] =	ssyncadd.s32 @p0 $0xFFFFFFFF  }
0xaf: {  	s6 =	sshll.u32 @!p0 s1, $0xE  }
0xb0: {  	s6 =	sor.u32 @!p0 $0x4000, s6;
	s5 =	simm.s32 @!p0 $0x1B8D  }
0xb1: {  	s4 =	sshll.u32 @!p0 s4, $0x11;
	s6 =	sadd.s32 @!p0 $0x11B8D, s6;
	_ =	swait.eq @!p0 [sflag:s5], $0x1  }
0xb2: {  	s4 =	sor.u32 @!p0 s4, s6;
	[sflag:s5] =	ssyncadd.s32 @!p0 $0xFFFFFFFF  }
0xb3: {  	s25 =	simm.s32 $0x1B8E;
	s24 =	sld [smem:$0x3FFE];
	[sflag:s4] =	ssyncadd.remote.s32 @!p0 $0x1  }
0xb4: {  	s26 =	simm.s32 $execute0_lowered;
	[smem:$0x3FD2] =	sst s25  }
0xb5: {  	s5 =	sshll.u32 s26, $0x1;
	_ =	strace $0x80000055;
	[dreg:$0x1] =	wrdreg $0xFFFFFFFF  }
0xb6: {  	s28 =	simm.s32 $_size_execute0_lowered;
	s3 =	sadd.s32 s3, s5;
	[dreg:$0x0] =	wrdreg $0x0  }
0xb7: {  	s5 =	sshll.u32 s28, $0x1;
	[dreg:$0x2] =	wrdreg s3  }
0xb8: {  	[dreg:$0x3] =	wrdreg s5  }
0xb9: {  	[dreg:$0x4] =	wrdreg $0xC0  }
0xba: {  	_ =	task [dreg:s22], $0x5FFFF  }
0xbb: {  	[dreg:$0x1] =	wrdreg $0xFFFFFFFF  }
0xbc: {  	[dreg:$0x0] =	wrdreg $0x60  }
0xbd: {  	[dreg:$0x2] =	wrdreg s24  }
0xbe: {  	[dreg:$0x3] =	wrdreg $0xA  }
0xbf: {  	_ =	task.clear_ibuf [dreg:s22], $0x4FFFF;
	_ =	strace $0x90000055  }
0xc0: {  	s29 =	simm.s32 $0xA;
	_ =	strace $0x80000057  }
0xc1: {  	_ =	swait.ge [sflag:s29], $0x1  }
0xc2: {  	[sflag:s29] =	ssyncadd.s32 $0xFFFFFFFF  }
0xc3: {  	_ =	strace $0x90000057  }
0xc4: {  	_ =	sfence  }
0xc5: {  	s30 =	sld [smem:$0x0];
	_ =	sdelay $0x2  }
0xc6: {  	s31 =	sshll.u32 s1, $0xD;
	s1 =	sshrl.u32 s1, $0x2  }
0xc7: {  	s4 =	sand.u32 $0x4000, s31;
	s1 =	sadd.s32 s1, s30  }
0xc8: {  	s0 =	sor.u32 s4, s0;
	s1 =	sshll.u32 s1, $0x11  }
0xc9: {  	s0 =	sor.u32 s1, s0  }
0xca: {  	s0 =	sadd.s32 $0x8F2B, s0  }
0xcb: {  	[sflag:s0] =	ssyncadd.remote.s32 $0x1  }
0xcc: {  	_ =	sfence.sel $0xFFFF  }
0xcd: {  	[dreg:$0x0] =	wrdreg $0xFFFFFFFF;
	(pc) =	sbr.abs _section_cstart, $3  }
0xce: {  	[dreg:$0x1] =	wrdreg $0xFFFFFFFF  }
0xcf: {  	_ =	task.clear_ibuf [dreg:s22], $0x2FFFF;
	_ =	strace $0x9FFFFFFF  }
0xd0: {  	(tm) =	ssettm $0x7FFFFFFF  }
0xd1: {  	_ =	shalt  }
tec
execute0_lowered:
.L_overlay_start_1:
0x0: {  	(tag) =	ssettag $0x1  }
0x1: {  	s7 =	rddreg [dreg:$0x0]  }
0x2: {  	s1 =	srdreg.scid;
	s0 =	rddreg [dreg:$0x1]  }
0x3: {  	_ =	strace $0x80000056;
	s3 =	simm.s32 $0x1;
	s5 =	simm.s32 $0x2  }
0x4: {  	s9 =	simm.s32 $0x3;
	s11 =	simm.s32 $0x0;
	s2 =	sshll.u32 s1, $0x4  }
.Ltmp0:
0x5: {  	s1 =	stileid.u32;
	s4 =	sand.u32 $0x10, s2;
	(pc) =	sbr.rel .LBB2_1-.Ltmp0, $4  }
0x6: {  	p0 =	por $0x0, $0x0;
	[sflag:s3] =	ssyncpa.u1 $0x0;
	s4 =	sor.u32 s1, s4  }
0x7: {  	s6 =	sadd.s32 $0x494600, s7;
	[sflag:s5] =	ssyncpa.u1 $0x0;
	s4 =	smul.u32 $0xC00, s4  }
0x8: {  	s2 =	sadd.s32 $0x194600, s7;
	s7 =	sadd.s32 $0x497600, s7;
	[sflag:s9] =	ssyncpa.u1 $0x0  }
0x9: {  	vm0 =	vmmov $0xff;
	vm1 =	vcmask $0x3F20;
	s9 =	simm.s32 $0x0;
	s8 =	sadd.s32 $0xC00, s4;
	s10 =	smov.u32 s4  }
.LBB2_6:
0xa: {  	[hbm:s15] =	stream.linear.scatter [tilespmem:s12], [sflag:$0x3], $0x400, $0x38;
	[tilespmem:$0x18300] =	vst v63  }
.LBB2_7:
0xb: {  	p1 =	slt.u32 s9, $0x2;
	s11 =	sadd.s32 $0x180, s10  }
0xc: {  	s13 =	smov.u32 s4;
	s9 =	sadd.s32 $0x1, s9;
	p2 =	slt.s32 s11, s8  }
0xd: {  	s13 =	smov.u32 @p2 s11;
	p2 =	sne.s32 s9, $0xA  }
.Ltmp1:
0xe: {  	_ = 	snop;
	(pc) =	sbr.rel @!p2 .LBB2_8-.Ltmp1, $4  }
0xf: {  	s12 =	simm.s32 @!p1 $0x3  }
0x10: {  	_ =	swait.ge @!p1 [sflag:s12], $0xC000  }
0x11: {  	p0 =	por !p0, !p0;
	[sflag:s12] =	ssyncset.done @!p1 $0x0  }
0x12: {  	s11 =	smov.u32 s10;
	s10 =	smov.u32 s13;
	[sflag:s12] =	ssyncadd.s32 @!p1 $0xFFFF4000  }
.LBB2_1:
0x13: {  	p1 =	sgt.u32 s9, $0x7  }
0x14: {  	s12 =	sxor.u32 @!p1 $0xFFFFFFFF, s9  }
0x15: {  	s12 =	sand.u32 @!p1 $0x1, s12  }
0x16: {  	s12 =	smul.u32 @!p1 $0x600, s12  }
0x17: {  	s31 =	sadd.s32 $0xFFFFFFFF, s9;
	s13 =	sshrl.u32 @!p1 s10, $0x3  }
0x18: {  	s14 =	sand.u32 @!p1 $0x7, s10;
	s13 =	sadd.s32 @!p1 s6, s13;
	s12 =	sshrl.u32 @!p1 s12, $0x2  }
0x19: {  	[tilespmem:s12], [sflag:$0x2] =	stream.linear.gather @!p1 [hbm4b:s13+s14], $0x180, $0x38;
	[tilespmem:$0x18300] =	vst v63  }
0x1a: {  	p1 =	sgt.u32 s31, $0x7  }
.Ltmp2:
0x1b: {  	_ = 	snop;
	(pc) =	sbr.rel @p1 .LBB2_7-.Ltmp2, $1  }
0x1c: {  	_ =	sdelay $0x3  }
0x1d: {  	s12 =	simm.s32 $0x1  }
0x1e: {  	s12 =	simm.s32 @!p0 $0x0  }
0x1f: {  	s13 =	smul.u32 $0x600, s12  }
0x20: {  	_ =	swait.ge [sflag:s5], $0x180  }
0x21: {  	[sflag:s5] =	ssyncset.done $0x0;
	s14 =	sshrl.u32 s13, $0x2  }
0x22: {  	[sflag:s5] =	ssyncadd.s32 $0xFFFFFE80;
	s13 =	sadd.s32 $0x0, s14  }
0x23: {  	v0 =	vld.msk [tilespmem:s13+$0x0 ss:$0x1], $0xffff;
	_ =	sdelay $0x4  }
0x24: {  	vm2 =	vgt.s32 v0, $0x0  }
0x25: {  	v0 =	vnsel vm2, $0x0, v0  }
0x26: {  	v0 =	vmin.u32 v0, $0x17FFF  }
0x27: {  	v0 =	vshll.u32 v0, $0x4  }
0x28: {  	s12 =	smul.u32 $0x30000, s12;
	_ =	sdelay $0x1  }
0x29: {  	s12 =	sshrl.u32 s12, $0x2  }
0x2a: {  	s12 =	sor.u32 $0x300, s12  }
0x2b: {  	[tilespmem:s12], [sflag:$0x1] =	stream.indirect_vreg.gather [hbm:s2], $0x80, v0, vm0, $0x38;
	[tilespmem:$0x18300] =	vst v63  }
0x2c: {  	s15 =	sadd.s32 $0x10, s14;
	s13 =	sadd.s32 $0x400, s12  }
0x2d: {  	[tilespmem:s13], [sflag:$0x1] =	stream.indirect_vreg.gather [hbm:s2], $0x80, v0, vm1, $0x38;
	[tilespmem:$0x18300] =	vst v63  }
0x2e: {  	s16 =	simm.s32 $0x80;
	v0 =	vld.msk [tilespmem:s15+$0x0 ss:$0x1], $0xffff;
	s15 =	smov.u32 s12  }
.LBB2_3:
0x2f: {  	p1 =	sne.s32 s16, $0x5C0;
	_ =	sdelay $0x4  }
0x30: {  	vm2 =	vgt.s32 v0, $0x0  }
0x31: {  	v0 =	vnsel vm2, $0x0, v0  }
0x32: {  	v0 =	vmin.u32 v0, $0x17FFF  }
0x33: {  	v0 =	vshll.u32 v0, $0x4;
	_ =	sdelay $0x3  }
.Ltmp3:
0x34: {  	s17 =	sshra.s32 s16, $0x2;
	s15 =	sadd.s32 $0x800, s15;
	(pc) =	sbr.rel @p1 .LBB2_3-.Ltmp3, $4  }
0x35: {  	[tilespmem:s15], [sflag:$0x1] =	stream.indirect_vreg.gather [hbm:s2], $0x80, v0, vm0, $0x38;
	[tilespmem:$0x18300] =	vst v63  }
0x36: {  	s17 =	sadd.s32 s17, s14;
	s18 =	sadd.s32 $0x400, s15  }
0x37: {  	[tilespmem:s18], [sflag:$0x1] =	stream.indirect_vreg.gather [hbm:s2], $0x80, v0, vm1, $0x38;
	[tilespmem:$0x18300] =	vst v63  }
0x38: {  	s16 =	sadd.s32 $0x40, s16;
	v0 =	vld.msk [tilespmem:s17+$0x0 ss:$0x1], $0xffff  }
0x39: {  	_ =	sdelay $0x3  }
0x3a: {  	vm2 =	vgt.s32 v0, $0x0  }
0x3b: {  	v0 =	vnsel vm2, $0x0, v0  }
0x3c: {  	v0 =	vmin.u32 v0, $0x17FFF  }
0x3d: {  	v0 =	vshll.u32 v0, $0x4;
	_ =	sdelay $0x3  }
0x3e: {  	s14 =	sadd.s32 $0x800, s15  }
0x3f: {  	[tilespmem:s14], [sflag:$0x1] =	stream.indirect_vreg.gather [hbm:s2], $0x80, v0, vm0, $0x38;
	[tilespmem:$0x18300] =	vst v63  }
0x40: {  	s14 =	sadd.s32 $0x400, s14  }
0x41: {  	[tilespmem:s14], [sflag:$0x1] =	stream.indirect_vreg.gather [hbm:s2], $0x80, v0, vm1, $0x38;
	[tilespmem:$0x18300] =	vst v63  }
0x42: {  	s11 =	sshll.u32 s11, $0x4;
	_ =	swait.ge [sflag:s3], $0xC000  }
0x43: {  	s11 =	sadd.s32 s11, s7;
	[sflag:s3] =	ssyncset.done $0x0  }
0x44: {  	s15 =	sadd.s32 $0x0, s11;
	s14 =	simm.s32 $0x80;
	[sflag:s3] =	ssyncadd.s32 $0xFFFF4000  }
.LBB2_5:
0x45: {  	[hbm:s15] =	stream.linear.scatter [tilespmem:s12], [sflag:$0x3], $0x400, $0x38;
	[tilespmem:$0x18300] =	vst v63  }
0x46: {  	s15 =	smov.u32 s14;
	s12 =	smov.u32 s13;
	p1 =	sne.s32 s14, $0x1780  }
.Ltmp4:
0x47: {  	s14 =	sadd.s32 $0x80, s14;
	(pc) =	sbr.rel @p1 .LBB2_5-.Ltmp4, $2  }
0x48: {  	_ =	sdelay $0x2  }
0x49: {  	s13 =	sadd.s32 $0x400, s13;
	s15 =	sadd.s32 s15, s11  }
.Ltmp5:
0x4a: {  	_ = 	snop;
	(pc) =	sbr.rel .LBB2_6-.Ltmp5, $1  }
0x4b: {  	_ =	sdelay $0x3  }
.LBB2_8:
0x4c: {  	_ =	sfence.sel $0x180000  }
0x4d: {  	s2 =	simm.s32 $0x2;
	[bflag:$0x0] =	sbarrier.arrive $0xFFFF  }
0x4e: {  	s30 =	simm.s32 $0x3;
	[sflag:s2] =	ssyncpa.u1 $0x1  }
0x4f: {  	s31 =	simm.s32 $0x1;
	[sflag:s30] =	ssyncpa.u1 $0x1  }
0x50: {  	[sflag:s31] =	ssyncpa.u1 $0x1  }
0x51: {  	p0 =	sne.s32 s1, $0x0;
	_ =	strace $0x90000056  }
0x52: {  	s0 =	sadd.s32 @!p0 $0x100000, s0;
	[bflag:$0x2] =	sbarrier.arrive $0xFFFF  }
0x53: {  	[sflag:s0] =	ssyncadd.tile.s32 @!p0 $0x1;
	_ =	shalt  }
.Lfunc_end2:
_tile_overlayer_lowered:
.L_overlay_start_2:
0x54: {  	(tag) =	ssettag $0x2  }
0x55: {  	s0 =	rddreg [dreg:$0x0];
	s2 =	stileid.u32  }
0x56: {  	s1 =	rddreg [dreg:$0x1];
	p0 =	sne.s32 s2, $0x0  }
0x57: {  	s3 =	rddreg [dreg:$0x2];
	[bflag:$0x3] =	sbarrier.arrive $0xFFFF;
	s2 =	simm.s32 @!p0 $0x1C01  }
0x58: {  	[timem:s3], [sflag:s2] =	dma.local @!p0 [hbm:s0], s1  }
0x59: {  	s0 =	simm.s32 @!p0 $0x1  }
0x5a: {  	_ =	swait.ge @!p0 [sflag:s0], s1  }
0x5b: {  	s1 =	ssub.s32 @!p0 $0x0, s1;
	[sflag:s0] =	ssyncset.done @!p0 $0x0  }
0x5c: {  	[sflag:s0] =	ssyncadd.s32 @!p0 s1  }
0x5d: {  	[bflag:$0x3] =	sbarrier.arrive $0xFFFF  }
0x5e: {  	_ =	shalt  }

// kernel: gather_offload_async_start.3
scs
__scs_entry_jumppad:
0x0: {  	(pc) =	sbr.rel $0x88, $3  }
0x1: {  	(tag) =	ssettag $0x0;
	lr =	simm.s32 $0x1  }
0x2: {  	[smem:$0x3F90] =	sst lr;
	_ =	strace $0xD0000000  }
0x3: {  	_ = 	snop  }
0x4: {  	_ = 	snop  }
0x5: {  	_ = 	snop  }
0x6: {  	_ = 	snop  }
0x7: {  	_ = 	snop  }
__scs_overlays_trampoline_lowered:
0x8: {  	[smem:$0x3F9F] =	sst s0  }
0x9: {  	[smem:$0x3FA0] =	sst s1  }
0xa: {  	[smem:$0x3FA1] =	sst s2  }
0xb: {  	[smem:$0x3FA2] =	sst s3  }
0xc: {  	[smem:$0x3FA3] =	sst s4  }
0xd: {  	[smem:$0x3FA4] =	sst s5  }
0xe: {  	[smem:$0x3FA5] =	sst s6  }
0xf: {  	[smem:$0x3FA6] =	sst s7  }
0x10: {  	[smem:$0x3FA7] =	sst s8  }
0x11: {  	[smem:$0x3FA8] =	sst s9;
	s0 =	simm.s32 @!p0 $0x0  }
0x12: {  	s1 =	sld [smem:$0x3F8E];
	s0 =	simm.s32 @p0 $0x1  }
0x13: {  	[smem:$0x3FA9] =	sst s0;
	s0 =	simm.s32 @!p1 $0x0  }
0x14: {  	s2 =	sld [smem:$0x3F8D];
	s0 =	simm.s32 @p1 $0x1  }
0x15: {  	[smem:$0x3FAA] =	sst s0;
	s0 =	simm.s32 @!p2 $0x0  }
0x16: {  	s3 =	sld [smem:$0x3FDB];
	s0 =	simm.s32 @p2 $0x1  }
0x17: {  	s4 =	simm.s32 $0x1BF5;
	[smem:$0x3FAC] =	sst s0  }
0x18: {  	s0 =	sld [smem:$0x3F8F];
	_ =	swait.ge [sflag:s4], $0x0  }
0x19: {  	s7 =	sld [smem:$0x3F90]  }
0x1a: {  	s8 =	sadd.s32 $0xFFFFE003, lr  }
0x1b: {  	s9 =	sadd.s32 $0xFFFFFEF7, lr;
	s5 =	simm.s32 $0xFFFFFFFF;
	p2 =	slt.u32 s8, $0xFFFFF086  }
0x1c: {  	p1 =	slt.u32 s9, $0xF7A;
	s5 =	simm.s32 @!p2 $0x0  }
0x1d: {  	s5 =	simm.s32 @p1 $0x1;
	p0 =	seq.s32 s7, s2  }
0x1e: {  	s7 =	smul.u32 @!p0 $0xF7A, s2;
	p2 =	seq.s32 @!p0 s5, $0x0  }
0x1f: {  	s9 =	smul.u32 $0xF7A, s1;
	s8 =	simm.s32 @!p0 $0x1BF5;
	p2 =	por !p2, p0  }
0x20: {  	[sflag:s8] =	ssyncset.s32 @!p0 $0xFFFFF086;
	s6 =	sadd.s32 @!p0 s3, s7;
	s7 =	simm.s32 @!p0 $0x108  }
0x21: {  	s3 =	sadd.s32 s3, s9;
	s6 =	sadd.s32 @!p0 $0x88, s6;
	s7 =	simm.s32 @p2 $0x1082  }
0x22: {  	[simem:s7], [sflag:s8] =	dma.local @!p0 [hbm:s6], $0xF7A  }
0x23: {  	s9 =	sor.u32 $0xD0000000, s2;
	s6 =	simm.s32 $0x108;
	_ =	swait.ge @!p0 [sflag:s8], $0x0  }
0x24: {  	s3 =	sadd.s32 $0x88, s3;
	s6 =	simm.s32 @!p1 $0x1082;
	[sflag:s4] =	ssyncset.s32 $0xFFFFF086  }
0x25: {  	[simem:s6], [sflag:s4] =	dma.local [hbm:s3], $0xF7A  }
0x26: {  	[smem:$0x3F90] =	sst s1;
	(tag) =	ssettag s2;
	_ =	strace s9  }
0x27: {  	s1 =	sld [smem:$0x3FA0]  }
0x28: {  	s2 =	sld [smem:$0x3FA1]  }
0x29: {  	s4 =	sld [smem:$0x3FA3]  }
0x2a: {  	p0 =	seq.s32 s5, $0x0;
	s5 =	sld [smem:$0x3FA4]  }
0x2b: {  	s6 =	sld [smem:$0x3FA5]  }
0x2c: {  	s7 =	sld [smem:$0x3FA6]  }
0x2d: {  	s3 =	simm.s32 $0x108;
	s8 =	sld [smem:$0x3FA7]  }
0x2e: {  	s3 =	simm.s32 @!p0 $0x1082;
	s9 =	sld [smem:$0x3FA8]  }
0x2f: {  	lr =	sadd.s32 s0, s3;
	s0 =	sld [smem:$0x3F9F]  }
0x30: {  	s3 =	sld [smem:$0x3FA2]  }
0x31: {  	[smem:$0x3FAB] =	sst s10  }
0x32: {  	s10 =	sld [smem:$0x3FA9];
	_ =	sdelay $0x3  }
0x33: {  	p0 =	seq.s32 s10, $0x1;
	s10 =	sld [smem:$0x3FAB];
	_ =	sdelay $0x3  }
0x34: {  	[smem:$0x3FAB] =	sst s10  }
0x35: {  	s10 =	sld [smem:$0x3FAA];
	_ =	sdelay $0x3  }
0x36: {  	p1 =	seq.s32 s10, $0x1;
	s10 =	sld [smem:$0x3FAB];
	_ =	sdelay $0x3  }
0x37: {  	[smem:$0x3FAB] =	sst s10  }
0x38: {  	s10 =	sld [smem:$0x3FAC]  }
0x39: {  	_ = 	snop;
	(pc) =	sbr.ind lr, $3  }
0x3a: {  	_ = 	snop  }
0x3b: {  	_ = 	snop  }
0x3c: {  	p2 =	seq.s32 s10, $0x1;
	s10 =	sld [smem:$0x3FAB]  }
0x3d: {  	_ =	shalt  }
0x3e: {  	_ =	shalt  }
0x3f: {  	_ =	shalt  }
0x40: {  	_ =	shalt  }
0x41: {  	_ =	shalt  }
0x42: {  	_ =	shalt  }
0x43: {  	_ =	shalt  }
0x44: {  	_ =	shalt  }
0x45: {  	_ =	shalt  }
0x46: {  	_ =	shalt  }
0x47: {  	_ =	shalt  }
0x48: {  	_ =	shalt  }
0x49: {  	_ =	shalt  }
0x4a: {  	_ =	shalt  }
0x4b: {  	_ =	shalt  }
0x4c: {  	_ =	shalt  }
0x4d: {  	_ =	shalt  }
0x4e: {  	_ =	shalt  }
0x4f: {  	_ =	shalt  }
0x50: {  	_ =	shalt  }
0x51: {  	_ =	shalt  }
0x52: {  	_ =	shalt  }
0x53: {  	_ =	shalt  }
0x54: {  	_ =	shalt  }
0x55: {  	_ =	shalt  }
0x56: {  	_ =	shalt  }
0x57: {  	_ =	shalt  }
0x58: {  	_ =	shalt  }
0x59: {  	_ =	shalt  }
0x5a: {  	_ =	shalt  }
0x5b: {  	_ =	shalt  }
0x5c: {  	_ =	shalt  }
0x5d: {  	_ =	shalt  }
0x5e: {  	_ =	shalt  }
0x5f: {  	_ =	shalt  }
0x60: {  	_ =	shalt  }
0x61: {  	_ =	shalt  }
0x62: {  	_ =	shalt  }
0x63: {  	_ =	shalt  }
0x64: {  	_ =	shalt  }
0x65: {  	_ =	shalt  }
0x66: {  	_ =	shalt  }
0x67: {  	_ =	shalt  }
0x68: {  	_ =	shalt  }
0x69: {  	_ =	shalt  }
0x6a: {  	_ =	shalt  }
0x6b: {  	_ =	shalt  }
0x6c: {  	_ =	shalt  }
0x6d: {  	_ =	shalt  }
0x6e: {  	_ =	shalt  }
0x6f: {  	_ =	shalt  }
0x70: {  	_ =	shalt  }
0x71: {  	_ =	shalt  }
0x72: {  	_ =	shalt  }
0x73: {  	_ =	shalt  }
0x74: {  	_ =	shalt  }
0x75: {  	_ =	shalt  }
0x76: {  	_ =	shalt  }
0x77: {  	_ =	shalt  }
0x78: {  	_ =	shalt  }
0x79: {  	_ =	shalt  }
0x7a: {  	_ =	shalt  }
0x7b: {  	_ =	shalt  }
0x7c: {  	_ =	shalt  }
0x7d: {  	_ =	shalt  }
0x7e: {  	_ =	shalt  }
0x7f: {  	_ =	shalt  }
0x80: {  	_ =	shalt  }
0x81: {  	_ =	shalt  }
0x82: {  	_ =	shalt  }
0x83: {  	_ =	shalt  }
0x84: {  	_ =	shalt  }
0x85: {  	_ =	shalt  }
0x86: {  	_ =	shalt  }
0x87: {  	_ =	shalt  }
.Lfunc_end0:
.L_simem_size_0:
called_computation.5_lowered:
.L_overlay_start_0:
0x88: {  	s2 =	sld [smem:$0x3FD9]  }
0x89: {  	s3 =	sld [smem:$0x3FFE];
	_ =	sdelay $0x1  }
0x8a: {  	s1 =	srdreg.scid  }
0x8b: {  	s0 =	sand.u32 $0x1, s1  }
0x8c: {  	s17 =	sshll.u32 s0, $0xA;
	s2 =	sadd.s32 s3, s2  }
0x8d: {  	s2 =	sadd.s32 s2, s17  }
0x8e: {  	[smem:$0x3FB7] =	sst s2  }
0x8f: {  	_ = 	snop  }
0x90: {  	(tm) =	ssettm $0x1  }
0x91: {  	s18 =	sld [smem:$0x3FFB];
	_ =	sdelay $0x3  }
0x92: {  	_ =	strace s18  }
0x93: {  	s2 =	sld [smem:$0x3FFC];
	_ =	sdelay $0x3  }
0x94: {  	_ =	strace s2  }
0x95: {  	s2 =	sld [smem:$0x3FFD];
	_ =	sdelay $0x3  }
0x96: {  	_ =	strace s2  }
0x97: {  	_ =	strace $0x8FFFFFFF  }
0x98: {  	s19 =	sld [smem:$0x3FDB];
	_ =	sdelay $0x1  }
0x99: {  	s20 =	simm.s32 $_scs_section_size  }
0x9a: {  	s4 =	simm.s32 $_size__tile_overlayer_lowered;
	s5 =	simm.s32 $_tile_overlayer_lowered  }
0x9b: {  	s6 =	simm.s32 $0x1BFF;
	s21 =	sshll.u32 s5, $0x1;
	s3 =	sadd.s32 s20, s19  }
0x9c: {  	s22 =	simm.s32 $0x0;
	s4 =	sshll.u32 s4, $0x1;
	s5 =	sadd.s32 s21, s3  }
0x9d: {  	[timem:s22], [sflag:s6] =	dma.local [hbm:s5], s4  }
0x9e: {  	_ =	swait.ge [sflag:s6], s4  }
0x9f: {  	s4 =	ssub.s32 $0x0, s4;
	[sflag:s6] =	ssyncset.done $0x0  }
0xa0: {  	[sflag:s6] =	ssyncadd.s32 s4;
	_ =	sdelay $0x1  }
0xa1: {  	s23 =	simm.s32 $0x1B8B  }
0xa2: {  	_ =	swait.ge [sflag:s23], $0x1  }
0xa3: {  	[sflag:s23] =	ssyncset.done $0x0  }
0xa4: {  	[sflag:s23] =	ssyncadd.s32 $0xFFFFFFFF  }
0xa5: {  	s4 =	sld [smem:$0x0]  }
0xa6: {  	s5 =	sand.u32 $0xFFFFFFFE, s1  }
0xa7: {  	p0 =	sne.s32 s1, s5  }
0xa8: {  	s5 =	sshll.u32 @p0 s5, $0xE  }
0xa9: {  	s5 =	sadd.s32 @p0 $0x11B8D, s5;
	s6 =	sshll.u32 @p0 s4, $0x11  }
0xaa: {  	s5 =	sor.u32 @p0 s6, s5  }
0xab: {  	[sflag:s5] =	ssyncadd.remote.s32 @p0 $0x1;
	_ =	sdelay $0x1  }
0xac: {  	s5 =	simm.s32 @p0 $0x1B8D  }
0xad: {  	_ =	swait.eq @p0 [sflag:s5], $0x1  }
0xae: {  	[sflag:s5] =	ssyncadd.s32 @p0 $0xFFFFFFFF  }
0xaf: {  	s6 =	sshll.u32 @!p0 s1, $0xE  }
0xb0: {  	s6 =	sor.u32 @!p0 $0x4000, s6;
	s5 =	simm.s32 @!p0 $0x1B8D  }
0xb1: {  	s4 =	sshll.u32 @!p0 s4, $0x11;
	s6 =	sadd.s32 @!p0 $0x11B8D, s6;
	_ =	swait.eq @!p0 [sflag:s5], $0x1  }
0xb2: {  	s4 =	sor.u32 @!p0 s4, s6;
	[sflag:s5] =	ssyncadd.s32 @!p0 $0xFFFFFFFF  }
0xb3: {  	s25 =	simm.s32 $0x1B8E;
	s24 =	sld [smem:$0x3FFE];
	[sflag:s4] =	ssyncadd.remote.s32 @!p0 $0x1  }
0xb4: {  	s26 =	simm.s32 $execute0_lowered;
	[smem:$0x3FD2] =	sst s25  }
0xb5: {  	s5 =	sshll.u32 s26, $0x1;
	_ =	strace $0x80000052;
	[dreg:$0x1] =	wrdreg $0xFFFFFFFF  }
0xb6: {  	s28 =	simm.s32 $_size_execute0_lowered;
	s3 =	sadd.s32 s3, s5;
	[dreg:$0x0] =	wrdreg $0x0  }
0xb7: {  	s5 =	sshll.u32 s28, $0x1;
	[dreg:$0x2] =	wrdreg s3  }
0xb8: {  	[dreg:$0x3] =	wrdreg s5  }
0xb9: {  	[dreg:$0x4] =	wrdreg $0xC0  }
0xba: {  	_ =	task [dreg:s22], $0x5FFFF  }
0xbb: {  	[dreg:$0x1] =	wrdreg $0xFFFFFFFF  }
0xbc: {  	[dreg:$0x0] =	wrdreg $0x60  }
0xbd: {  	[dreg:$0x2] =	wrdreg s24  }
0xbe: {  	[dreg:$0x3] =	wrdreg $0x9  }
0xbf: {  	_ =	task.clear_ibuf [dreg:s22], $0x4FFFF;
	_ =	strace $0x90000052  }
0xc0: {  	s29 =	simm.s32 $0x9;
	_ =	strace $0x80000054  }
0xc1: {  	_ =	swait.ge [sflag:s29], $0x1  }
0xc2: {  	[sflag:s29] =	ssyncadd.s32 $0xFFFFFFFF  }
0xc3: {  	_ =	strace $0x90000054  }
0xc4: {  	_ =	sfence  }
0xc5: {  	s30 =	sld [smem:$0x0];
	_ =	sdelay $0x2  }
0xc6: {  	s31 =	sshll.u32 s1, $0xD;
	s1 =	sshrl.u32 s1, $0x2  }
0xc7: {  	s4 =	sand.u32 $0x4000, s31;
	s1 =	sadd.s32 s1, s30  }
0xc8: {  	s0 =	sor.u32 s4, s0;
	s1 =	sshll.u32 s1, $0x11  }
0xc9: {  	s0 =	sor.u32 s1, s0  }
0xca: {  	s0 =	sadd.s32 $0x8F2B, s0  }
0xcb: {  	[sflag:s0] =	ssyncadd.remote.s32 $0x1  }
0xcc: {  	_ =	sfence.sel $0xFFFF  }
0xcd: {  	[dreg:$0x0] =	wrdreg $0xFFFFFFFF;
	(pc) =	sbr.abs _section_cstart, $3  }
0xce: {  	[dreg:$0x1] =	wrdreg $0xFFFFFFFF  }
0xcf: {  	_ =	task.clear_ibuf [dreg:s22], $0x2FFFF;
	_ =	strace $0x9FFFFFFF  }
0xd0: {  	(tm) =	ssettm $0x7FFFFFFF  }
0xd1: {  	_ =	shalt  }
tec
execute0_lowered:
.L_overlay_start_1:
0x0: {  	(tag) =	ssettag $0x1  }
0x1: {  	s7 =	rddreg [dreg:$0x0]  }
0x2: {  	s1 =	srdreg.scid;
	s0 =	rddreg [dreg:$0x1]  }
0x3: {  	_ =	strace $0x80000053;
	s3 =	simm.s32 $0x1;
	s5 =	simm.s32 $0x2  }
0x4: {  	s9 =	simm.s32 $0x3;
	s11 =	simm.s32 $0x0;
	s2 =	sshll.u32 s1, $0x4  }
.Ltmp0:
0x5: {  	s1 =	stileid.u32;
	s4 =	sand.u32 $0x10, s2;
	(pc) =	sbr.rel .LBB2_1-.Ltmp0, $4  }
0x6: {  	p0 =	por $0x0, $0x0;
	[sflag:s3] =	ssyncpa.u1 $0x0;
	s4 =	sor.u32 s1, s4  }
0x7: {  	s6 =	sadd.s32 $0xDC00, s7;
	[sflag:s5] =	ssyncpa.u1 $0x0;
	s4 =	smul.u32 $0xC00, s4  }
0x8: {  	s2 =	sadd.s32 $0x314600, s7;
	s7 =	sadd.s32 $0x14600, s7;
	[sflag:s9] =	ssyncpa.u1 $0x0  }
0x9: {  	vm0 =	vmmov $0xff;
	vm1 =	vcmask $0x3F20;
	s9 =	simm.s32 $0x0;
	s8 =	sadd.s32 $0xC00, s4;
	s10 =	smov.u32 s4  }
.LBB2_6:
0xa: {  	[hbm:s15] =	stream.linear.scatter [tilespmem:s12], [sflag:$0x3], $0x400, $0x38;
	[tilespmem:$0x18300] =	vst v63  }
.LBB2_7:
0xb: {  	p1 =	slt.u32 s9, $0x2;
	s11 =	sadd.s32 $0x180, s10  }
0xc: {  	s13 =	smov.u32 s4;
	s9 =	sadd.s32 $0x1, s9;
	p2 =	slt.s32 s11, s8  }
0xd: {  	s13 =	smov.u32 @p2 s11;
	p2 =	sne.s32 s9, $0xA  }
.Ltmp1:
0xe: {  	_ = 	snop;
	(pc) =	sbr.rel @!p2 .LBB2_8-.Ltmp1, $4  }
0xf: {  	s12 =	simm.s32 @!p1 $0x3  }
0x10: {  	_ =	swait.ge @!p1 [sflag:s12], $0xC000  }
0x11: {  	p0 =	por !p0, !p0;
	[sflag:s12] =	ssyncset.done @!p1 $0x0  }
0x12: {  	s11 =	smov.u32 s10;
	s10 =	smov.u32 s13;
	[sflag:s12] =	ssyncadd.s32 @!p1 $0xFFFF4000  }
.LBB2_1:
0x13: {  	p1 =	sgt.u32 s9, $0x7  }
0x14: {  	s12 =	sxor.u32 @!p1 $0xFFFFFFFF, s9  }
0x15: {  	s12 =	sand.u32 @!p1 $0x1, s12  }
0x16: {  	s12 =	smul.u32 @!p1 $0x600, s12  }
0x17: {  	s31 =	sadd.s32 $0xFFFFFFFF, s9;
	s13 =	sshrl.u32 @!p1 s10, $0x3  }
0x18: {  	s14 =	sand.u32 @!p1 $0x7, s10;
	s13 =	sadd.s32 @!p1 s6, s13;
	s12 =	sshrl.u32 @!p1 s12, $0x2  }
0x19: {  	[tilespmem:s12], [sflag:$0x2] =	stream.linear.gather @!p1 [hbm4b:s13+s14], $0x180, $0x38;
	[tilespmem:$0x18300] =	vst v63  }
0x1a: {  	p1 =	sgt.u32 s31, $0x7  }
.Ltmp2:
0x1b: {  	_ = 	snop;
	(pc) =	sbr.rel @p1 .LBB2_7-.Ltmp2, $1  }
0x1c: {  	_ =	sdelay $0x3  }
0x1d: {  	s12 =	simm.s32 $0x1  }
0x1e: {  	s12 =	simm.s32 @!p0 $0x0  }
0x1f: {  	s13 =	smul.u32 $0x600, s12  }
0x20: {  	_ =	swait.ge [sflag:s5], $0x180  }
0x21: {  	[sflag:s5] =	ssyncset.done $0x0;
	s14 =	sshrl.u32 s13, $0x2  }
0x22: {  	[sflag:s5] =	ssyncadd.s32 $0xFFFFFE80;
	s13 =	sadd.s32 $0x0, s14  }
0x23: {  	v0 =	vld.msk [tilespmem:s13+$0x0 ss:$0x1], $0xffff;
	_ =	sdelay $0x4  }
0x24: {  	vm2 =	vgt.s32 v0, $0x0  }
0x25: {  	v0 =	vnsel vm2, $0x0, v0  }
0x26: {  	v0 =	vmin.u32 v0, $0x17FFF  }
0x27: {  	v0 =	vshll.u32 v0, $0x4  }
0x28: {  	s12 =	smul.u32 $0x30000, s12;
	_ =	sdelay $0x1  }
0x29: {  	s12 =	sshrl.u32 s12, $0x2  }
0x2a: {  	s12 =	sor.u32 $0x300, s12  }
0x2b: {  	[tilespmem:s12], [sflag:$0x1] =	stream.indirect_vreg.gather [hbm:s2], $0x80, v0, vm0, $0x38;
	[tilespmem:$0x18300] =	vst v63  }
0x2c: {  	s15 =	sadd.s32 $0x10, s14;
	s13 =	sadd.s32 $0x400, s12  }
0x2d: {  	[tilespmem:s13], [sflag:$0x1] =	stream.indirect_vreg.gather [hbm:s2], $0x80, v0, vm1, $0x38;
	[tilespmem:$0x18300] =	vst v63  }
0x2e: {  	s16 =	simm.s32 $0x80;
	v0 =	vld.msk [tilespmem:s15+$0x0 ss:$0x1], $0xffff;
	s15 =	smov.u32 s12  }
.LBB2_3:
0x2f: {  	p1 =	sne.s32 s16, $0x5C0;
	_ =	sdelay $0x4  }
0x30: {  	vm2 =	vgt.s32 v0, $0x0  }
0x31: {  	v0 =	vnsel vm2, $0x0, v0  }
0x32: {  	v0 =	vmin.u32 v0, $0x17FFF  }
0x33: {  	v0 =	vshll.u32 v0, $0x4;
	_ =	sdelay $0x3  }
.Ltmp3:
0x34: {  	s17 =	sshra.s32 s16, $0x2;
	s15 =	sadd.s32 $0x800, s15;
	(pc) =	sbr.rel @p1 .LBB2_3-.Ltmp3, $4  }
0x35: {  	[tilespmem:s15], [sflag:$0x1] =	stream.indirect_vreg.gather [hbm:s2], $0x80, v0, vm0, $0x38;
	[tilespmem:$0x18300] =	vst v63  }
0x36: {  	s17 =	sadd.s32 s17, s14;
	s18 =	sadd.s32 $0x400, s15  }
0x37: {  	[tilespmem:s18], [sflag:$0x1] =	stream.indirect_vreg.gather [hbm:s2], $0x80, v0, vm1, $0x38;
	[tilespmem:$0x18300] =	vst v63  }
0x38: {  	s16 =	sadd.s32 $0x40, s16;
	v0 =	vld.msk [tilespmem:s17+$0x0 ss:$0x1], $0xffff  }
0x39: {  	_ =	sdelay $0x3  }
0x3a: {  	vm2 =	vgt.s32 v0, $0x0  }
0x3b: {  	v0 =	vnsel vm2, $0x0, v0  }
0x3c: {  	v0 =	vmin.u32 v0, $0x17FFF  }
0x3d: {  	v0 =	vshll.u32 v0, $0x4;
	_ =	sdelay $0x3  }
0x3e: {  	s14 =	sadd.s32 $0x800, s15  }
0x3f: {  	[tilespmem:s14], [sflag:$0x1] =	stream.indirect_vreg.gather [hbm:s2], $0x80, v0, vm0, $0x38;
	[tilespmem:$0x18300] =	vst v63  }
0x40: {  	s14 =	sadd.s32 $0x400, s14  }
0x41: {  	[tilespmem:s14], [sflag:$0x1] =	stream.indirect_vreg.gather [hbm:s2], $0x80, v0, vm1, $0x38;
	[tilespmem:$0x18300] =	vst v63  }
0x42: {  	s11 =	sshll.u32 s11, $0x4;
	_ =	swait.ge [sflag:s3], $0xC000  }
0x43: {  	s11 =	sadd.s32 s11, s7;
	[sflag:s3] =	ssyncset.done $0x0  }
0x44: {  	s15 =	sadd.s32 $0x0, s11;
	s14 =	simm.s32 $0x80;
	[sflag:s3] =	ssyncadd.s32 $0xFFFF4000  }
.LBB2_5:
0x45: {  	[hbm:s15] =	stream.linear.scatter [tilespmem:s12], [sflag:$0x3], $0x400, $0x38;
	[tilespmem:$0x18300] =	vst v63  }
0x46: {  	s15 =	smov.u32 s14;
	s12 =	smov.u32 s13;
	p1 =	sne.s32 s14, $0x1780  }
.Ltmp4:
0x47: {  	s14 =	sadd.s32 $0x80, s14;
	(pc) =	sbr.rel @p1 .LBB2_5-.Ltmp4, $2  }
0x48: {  	_ =	sdelay $0x2  }
0x49: {  	s13 =	sadd.s32 $0x400, s13;
	s15 =	sadd.s32 s15, s11  }
.Ltmp5:
0x4a: {  	_ = 	snop;
	(pc) =	sbr.rel .LBB2_6-.Ltmp5, $1  }
0x4b: {  	_ =	sdelay $0x3  }
.LBB2_8:
0x4c: {  	_ =	sfence.sel $0x180000  }
0x4d: {  	s2 =	simm.s32 $0x2;
	[bflag:$0x0] =	sbarrier.arrive $0xFFFF  }
0x4e: {  	s30 =	simm.s32 $0x3;
	[sflag:s2] =	ssyncpa.u1 $0x1  }
0x4f: {  	s31 =	simm.s32 $0x1;
	[sflag:s30] =	ssyncpa.u1 $0x1  }
0x50: {  	[sflag:s31] =	ssyncpa.u1 $0x1  }
0x51: {  	p0 =	sne.s32 s1, $0x0;
	_ =	strace $0x90000053  }
0x52: {  	s0 =	sadd.s32 @!p0 $0x100000, s0;
	[bflag:$0x2] =	sbarrier.arrive $0xFFFF  }
0x53: {  	[sflag:s0] =	ssyncadd.tile.s32 @!p0 $0x1;
	_ =	shalt  }
.Lfunc_end2:
_tile_overlayer_lowered:
.L_overlay_start_2:
0x54: {  	(tag) =	ssettag $0x2  }
0x55: {  	s0 =	rddreg [dreg:$0x0];
	s2 =	stileid.u32  }
0x56: {  	s1 =	rddreg [dreg:$0x1];
	p0 =	sne.s32 s2, $0x0  }
0x57: {  	s3 =	rddreg [dreg:$0x2];
	[bflag:$0x3] =	sbarrier.arrive $0xFFFF;
	s2 =	simm.s32 @!p0 $0x1C01  }
0x58: {  	[timem:s3], [sflag:s2] =	dma.local @!p0 [hbm:s0], s1  }
0x59: {  	s0 =	simm.s32 @!p0 $0x1  }
0x5a: {  	_ =	swait.ge @!p0 [sflag:s0], s1  }
0x5b: {  	s1 =	ssub.s32 @!p0 $0x0, s1;
	[sflag:s0] =	ssyncset.done @!p0 $0x0  }
0x5c: {  	[sflag:s0] =	ssyncadd.s32 @!p0 s1  }
0x5d: {  	[bflag:$0x3] =	sbarrier.arrive $0xFFFF  }
0x5e: {  	_ =	shalt  }

// kernel: gather_offload_async_start
scs
__scs_entry_jumppad:
0x0: {  	(pc) =	sbr.rel $0x88, $3  }
0x1: {  	(tag) =	ssettag $0x0;
	lr =	simm.s32 $0x1  }
0x2: {  	[smem:$0x3F90] =	sst lr;
	_ =	strace $0xD0000000  }
0x3: {  	_ = 	snop  }
0x4: {  	_ = 	snop  }
0x5: {  	_ = 	snop  }
0x6: {  	_ = 	snop  }
0x7: {  	_ = 	snop  }
__scs_overlays_trampoline_lowered:
0x8: {  	[smem:$0x3F9F] =	sst s0  }
0x9: {  	[smem:$0x3FA0] =	sst s1  }
0xa: {  	[smem:$0x3FA1] =	sst s2  }
0xb: {  	[smem:$0x3FA2] =	sst s3  }
0xc: {  	[smem:$0x3FA3] =	sst s4  }
0xd: {  	[smem:$0x3FA4] =	sst s5  }
0xe: {  	[smem:$0x3FA5] =	sst s6  }
0xf: {  	[smem:$0x3FA6] =	sst s7  }
0x10: {  	[smem:$0x3FA7] =	sst s8  }
0x11: {  	[smem:$0x3FA8] =	sst s9;
	s0 =	simm.s32 @!p0 $0x0  }
0x12: {  	s1 =	sld [smem:$0x3F8E];
	s0 =	simm.s32 @p0 $0x1  }
0x13: {  	[smem:$0x3FA9] =	sst s0;
	s0 =	simm.s32 @!p1 $0x0  }
0x14: {  	s2 =	sld [smem:$0x3F8D];
	s0 =	simm.s32 @p1 $0x1  }
0x15: {  	[smem:$0x3FAA] =	sst s0;
	s0 =	simm.s32 @!p2 $0x0  }
0x16: {  	s3 =	sld [smem:$0x3FDB];
	s0 =	simm.s32 @p2 $0x1  }
0x17: {  	s4 =	simm.s32 $0x1BF5;
	[smem:$0x3FAC] =	sst s0  }
0x18: {  	s0 =	sld [smem:$0x3F8F];
	_ =	swait.ge [sflag:s4], $0x0  }
0x19: {  	s7 =	sld [smem:$0x3F90]  }
0x1a: {  	s8 =	sadd.s32 $0xFFFFE003, lr  }
0x1b: {  	s9 =	sadd.s32 $0xFFFFFEF7, lr;
	s5 =	simm.s32 $0xFFFFFFFF;
	p2 =	slt.u32 s8, $0xFFFFF086  }
0x1c: {  	p1 =	slt.u32 s9, $0xF7A;
	s5 =	simm.s32 @!p2 $0x0  }
0x1d: {  	s5 =	simm.s32 @p1 $0x1;
	p0 =	seq.s32 s7, s2  }
0x1e: {  	s7 =	smul.u32 @!p0 $0xF7A, s2;
	p2 =	seq.s32 @!p0 s5, $0x0  }
0x1f: {  	s9 =	smul.u32 $0xF7A, s1;
	s8 =	simm.s32 @!p0 $0x1BF5;
	p2 =	por !p2, p0  }
0x20: {  	[sflag:s8] =	ssyncset.s32 @!p0 $0xFFFFF086;
	s6 =	sadd.s32 @!p0 s3, s7;
	s7 =	simm.s32 @!p0 $0x108  }
0x21: {  	s3 =	sadd.s32 s3, s9;
	s6 =	sadd.s32 @!p0 $0x88, s6;
	s7 =	simm.s32 @p2 $0x1082  }
0x22: {  	[simem:s7], [sflag:s8] =	dma.local @!p0 [hbm:s6], $0xF7A  }
0x23: {  	s9 =	sor.u32 $0xD0000000, s2;
	s6 =	simm.s32 $0x108;
	_ =	swait.ge @!p0 [sflag:s8], $0x0  }
0x24: {  	s3 =	sadd.s32 $0x88, s3;
	s6 =	simm.s32 @!p1 $0x1082;
	[sflag:s4] =	ssyncset.s32 $0xFFFFF086  }
0x25: {  	[simem:s6], [sflag:s4] =	dma.local [hbm:s3], $0xF7A  }
0x26: {  	[smem:$0x3F90] =	sst s1;
	(tag) =	ssettag s2;
	_ =	strace s9  }
0x27: {  	s1 =	sld [smem:$0x3FA0]  }
0x28: {  	s2 =	sld [smem:$0x3FA1]  }
0x29: {  	s4 =	sld [smem:$0x3FA3]  }
0x2a: {  	p0 =	seq.s32 s5, $0x0;
	s5 =	sld [smem:$0x3FA4]  }
0x2b: {  	s6 =	sld [smem:$0x3FA5]  }
0x2c: {  	s7 =	sld [smem:$0x3FA6]  }
0x2d: {  	s3 =	simm.s32 $0x108;
	s8 =	sld [smem:$0x3FA7]  }
0x2e: {  	s3 =	simm.s32 @!p0 $0x1082;
	s9 =	sld [smem:$0x3FA8]  }
0x2f: {  	lr =	sadd.s32 s0, s3;
	s0 =	sld [smem:$0x3F9F]  }
0x30: {  	s3 =	sld [smem:$0x3FA2]  }
0x31: {  	[smem:$0x3FAB] =	sst s10  }
0x32: {  	s10 =	sld [smem:$0x3FA9];
	_ =	sdelay $0x3  }
0x33: {  	p0 =	seq.s32 s10, $0x1;
	s10 =	sld [smem:$0x3FAB];
	_ =	sdelay $0x3  }
0x34: {  	[smem:$0x3FAB] =	sst s10  }
0x35: {  	s10 =	sld [smem:$0x3FAA];
	_ =	sdelay $0x3  }
0x36: {  	p1 =	seq.s32 s10, $0x1;
	s10 =	sld [smem:$0x3FAB];
	_ =	sdelay $0x3  }
0x37: {  	[smem:$0x3FAB] =	sst s10  }
0x38: {  	s10 =	sld [smem:$0x3FAC]  }
0x39: {  	_ = 	snop;
	(pc) =	sbr.ind lr, $3  }
0x3a: {  	_ = 	snop  }
0x3b: {  	_ = 	snop  }
0x3c: {  	p2 =	seq.s32 s10, $0x1;
	s10 =	sld [smem:$0x3FAB]  }
0x3d: {  	_ =	shalt  }
0x3e: {  	_ =	shalt  }
0x3f: {  	_ =	shalt  }
0x40: {  	_ =	shalt  }
0x41: {  	_ =	shalt  }
0x42: {  	_ =	shalt  }
0x43: {  	_ =	shalt  }
0x44: {  	_ =	shalt  }
0x45: {  	_ =	shalt  }
0x46: {  	_ =	shalt  }
0x47: {  	_ =	shalt  }
0x48: {  	_ =	shalt  }
0x49: {  	_ =	shalt  }
0x4a: {  	_ =	shalt  }
0x4b: {  	_ =	shalt  }
0x4c: {  	_ =	shalt  }
0x4d: {  	_ =	shalt  }
0x4e: {  	_ =	shalt  }
0x4f: {  	_ =	shalt  }
0x50: {  	_ =	shalt  }
0x51: {  	_ =	shalt  }
0x52: {  	_ =	shalt  }
0x53: {  	_ =	shalt  }
0x54: {  	_ =	shalt  }
0x55: {  	_ =	shalt  }
0x56: {  	_ =	shalt  }
0x57: {  	_ =	shalt  }
0x58: {  	_ =	shalt  }
0x59: {  	_ =	shalt  }
0x5a: {  	_ =	shalt  }
0x5b: {  	_ =	shalt  }
0x5c: {  	_ =	shalt  }
0x5d: {  	_ =	shalt  }
0x5e: {  	_ =	shalt  }
0x5f: {  	_ =	shalt  }
0x60: {  	_ =	shalt  }
0x61: {  	_ =	shalt  }
0x62: {  	_ =	shalt  }
0x63: {  	_ =	shalt  }
0x64: {  	_ =	shalt  }
0x65: {  	_ =	shalt  }
0x66: {  	_ =	shalt  }
0x67: {  	_ =	shalt  }
0x68: {  	_ =	shalt  }
0x69: {  	_ =	shalt  }
0x6a: {  	_ =	shalt  }
0x6b: {  	_ =	shalt  }
0x6c: {  	_ =	shalt  }
0x6d: {  	_ =	shalt  }
0x6e: {  	_ =	shalt  }
0x6f: {  	_ =	shalt  }
0x70: {  	_ =	shalt  }
0x71: {  	_ =	shalt  }
0x72: {  	_ =	shalt  }
0x73: {  	_ =	shalt  }
0x74: {  	_ =	shalt  }
0x75: {  	_ =	shalt  }
0x76: {  	_ =	shalt  }
0x77: {  	_ =	shalt  }
0x78: {  	_ =	shalt  }
0x79: {  	_ =	shalt  }
0x7a: {  	_ =	shalt  }
0x7b: {  	_ =	shalt  }
0x7c: {  	_ =	shalt  }
0x7d: {  	_ =	shalt  }
0x7e: {  	_ =	shalt  }
0x7f: {  	_ =	shalt  }
0x80: {  	_ =	shalt  }
0x81: {  	_ =	shalt  }
0x82: {  	_ =	shalt  }
0x83: {  	_ =	shalt  }
0x84: {  	_ =	shalt  }
0x85: {  	_ =	shalt  }
0x86: {  	_ =	shalt  }
0x87: {  	_ =	shalt  }
.Lfunc_end0:
.L_simem_size_0:
called_computation.2_lowered:
.L_overlay_start_0:
0x88: {  	s2 =	sld [smem:$0x3FD9]  }
0x89: {  	s3 =	sld [smem:$0x3FFE];
	_ =	sdelay $0x1  }
0x8a: {  	s1 =	srdreg.scid  }
0x8b: {  	s0 =	sand.u32 $0x1, s1  }
0x8c: {  	s17 =	sshll.u32 s0, $0xA;
	s2 =	sadd.s32 s3, s2  }
0x8d: {  	s2 =	sadd.s32 s2, s17  }
0x8e: {  	[smem:$0x3FB7] =	sst s2  }
0x8f: {  	_ = 	snop  }
0x90: {  	(tm) =	ssettm $0x1  }
0x91: {  	s18 =	sld [smem:$0x3FFB];
	_ =	sdelay $0x3  }
0x92: {  	_ =	strace s18  }
0x93: {  	s2 =	sld [smem:$0x3FFC];
	_ =	sdelay $0x3  }
0x94: {  	_ =	strace s2  }
0x95: {  	s2 =	sld [smem:$0x3FFD];
	_ =	sdelay $0x3  }
0x96: {  	_ =	strace s2  }
0x97: {  	_ =	strace $0x8FFFFFFF  }
0x98: {  	s19 =	sld [smem:$0x3FDB];
	_ =	sdelay $0x1  }
0x99: {  	s20 =	simm.s32 $_scs_section_size  }
0x9a: {  	s4 =	simm.s32 $_size__tile_overlayer_lowered;
	s5 =	simm.s32 $_tile_overlayer_lowered  }
0x9b: {  	s6 =	simm.s32 $0x1BFF;
	s21 =	sshll.u32 s5, $0x1;
	s3 =	sadd.s32 s20, s19  }
0x9c: {  	s22 =	simm.s32 $0x0;
	s4 =	sshll.u32 s4, $0x1;
	s5 =	sadd.s32 s21, s3  }
0x9d: {  	[timem:s22], [sflag:s6] =	dma.local [hbm:s5], s4  }
0x9e: {  	_ =	swait.ge [sflag:s6], s4  }
0x9f: {  	s4 =	ssub.s32 $0x0, s4;
	[sflag:s6] =	ssyncset.done $0x0  }
0xa0: {  	[sflag:s6] =	ssyncadd.s32 s4;
	_ =	sdelay $0x1  }
0xa1: {  	s23 =	simm.s32 $0x1B8B  }
0xa2: {  	_ =	swait.ge [sflag:s23], $0x1  }
0xa3: {  	[sflag:s23] =	ssyncset.done $0x0  }
0xa4: {  	[sflag:s23] =	ssyncadd.s32 $0xFFFFFFFF  }
0xa5: {  	s4 =	sld [smem:$0x0]  }
0xa6: {  	s5 =	sand.u32 $0xFFFFFFFE, s1  }
0xa7: {  	p0 =	sne.s32 s1, s5  }
0xa8: {  	s5 =	sshll.u32 @p0 s5, $0xE  }
0xa9: {  	s5 =	sadd.s32 @p0 $0x11B8D, s5;
	s6 =	sshll.u32 @p0 s4, $0x11  }
0xaa: {  	s5 =	sor.u32 @p0 s6, s5  }
0xab: {  	[sflag:s5] =	ssyncadd.remote.s32 @p0 $0x1;
	_ =	sdelay $0x1  }
0xac: {  	s5 =	simm.s32 @p0 $0x1B8D  }
0xad: {  	_ =	swait.eq @p0 [sflag:s5], $0x1  }
0xae: {  	[sflag:s5] =	ssyncadd.s32 @p0 $0xFFFFFFFF  }
0xaf: {  	s6 =	sshll.u32 @!p0 s1, $0xE  }
0xb0: {  	s6 =	sor.u32 @!p0 $0x4000, s6;
	s5 =	simm.s32 @!p0 $0x1B8D  }
0xb1: {  	s4 =	sshll.u32 @!p0 s4, $0x11;
	s6 =	sadd.s32 @!p0 $0x11B8D, s6;
	_ =	swait.eq @!p0 [sflag:s5], $0x1  }
0xb2: {  	s4 =	sor.u32 @!p0 s4, s6;
	[sflag:s5] =	ssyncadd.s32 @!p0 $0xFFFFFFFF  }
0xb3: {  	s25 =	simm.s32 $0x1B8E;
	s24 =	sld [smem:$0x3FFE];
	[sflag:s4] =	ssyncadd.remote.s32 @!p0 $0x1  }
0xb4: {  	s26 =	simm.s32 $execute0_lowered;
	[smem:$0x3FD2] =	sst s25  }
0xb5: {  	s5 =	sshll.u32 s26, $0x1;
	_ =	strace $0x8000004C;
	[dreg:$0x1] =	wrdreg $0xFFFFFFFF  }
0xb6: {  	s28 =	simm.s32 $_size_execute0_lowered;
	s3 =	sadd.s32 s3, s5;
	[dreg:$0x0] =	wrdreg $0x0  }
0xb7: {  	s5 =	sshll.u32 s28, $0x1;
	[dreg:$0x2] =	wrdreg s3  }
0xb8: {  	[dreg:$0x3] =	wrdreg s5  }
0xb9: {  	[dreg:$0x4] =	wrdreg $0xC0  }
0xba: {  	_ =	task [dreg:s22], $0x5FFFF  }
0xbb: {  	[dreg:$0x1] =	wrdreg $0xFFFFFFFF  }
0xbc: {  	[dreg:$0x0] =	wrdreg $0x60  }
0xbd: {  	[dreg:$0x2] =	wrdreg s24  }
0xbe: {  	[dreg:$0x3] =	wrdreg $0xA  }
0xbf: {  	_ =	task.clear_ibuf [dreg:s22], $0x4FFFF;
	_ =	strace $0x9000004C  }
0xc0: {  	s29 =	simm.s32 $0xA;
	_ =	strace $0x8000004E  }
0xc1: {  	_ =	swait.ge [sflag:s29], $0x1  }
0xc2: {  	[sflag:s29] =	ssyncadd.s32 $0xFFFFFFFF  }
0xc3: {  	_ =	strace $0x9000004E  }
0xc4: {  	_ =	sfence  }
0xc5: {  	s30 =	sld [smem:$0x0];
	_ =	sdelay $0x2  }
0xc6: {  	s31 =	sshll.u32 s1, $0xD;
	s1 =	sshrl.u32 s1, $0x2  }
0xc7: {  	s4 =	sand.u32 $0x4000, s31;
	s1 =	sadd.s32 s1, s30  }
0xc8: {  	s0 =	sor.u32 s4, s0;
	s1 =	sshll.u32 s1, $0x11  }
0xc9: {  	s0 =	sor.u32 s1, s0  }
0xca: {  	s0 =	sadd.s32 $0x8F2B, s0  }
0xcb: {  	[sflag:s0] =	ssyncadd.remote.s32 $0x1  }
0xcc: {  	_ =	sfence.sel $0xFFFF  }
0xcd: {  	[dreg:$0x0] =	wrdreg $0xFFFFFFFF;
	(pc) =	sbr.abs _section_cstart, $3  }
0xce: {  	[dreg:$0x1] =	wrdreg $0xFFFFFFFF  }
0xcf: {  	_ =	task.clear_ibuf [dreg:s22], $0x2FFFF;
	_ =	strace $0x9FFFFFFF  }
0xd0: {  	(tm) =	ssettm $0x7FFFFFFF  }
0xd1: {  	_ =	shalt  }
tec
execute0_lowered:
.L_overlay_start_1:
0x0: {  	(tag) =	ssettag $0x1  }
0x1: {  	s7 =	rddreg [dreg:$0x0]  }
0x2: {  	s1 =	srdreg.scid;
	s0 =	rddreg [dreg:$0x1]  }
0x3: {  	_ =	strace $0x8000004D;
	s3 =	simm.s32 $0x1;
	s5 =	simm.s32 $0x2  }
0x4: {  	s9 =	simm.s32 $0x3;
	s11 =	simm.s32 $0x0;
	s2 =	sshll.u32 s1, $0x4  }
.Ltmp0:
0x5: {  	s1 =	stileid.u32;
	s4 =	sand.u32 $0x10, s2;
	(pc) =	sbr.rel .LBB2_1-.Ltmp0, $4  }
0x6: {  	p0 =	por $0x0, $0x0;
	[sflag:s3] =	ssyncpa.u1 $0x0;
	s4 =	sor.u32 s1, s4  }
0x7: {  	s6 =	sadd.s32 $0x14600, s7;
	[sflag:s5] =	ssyncpa.u1 $0x0;
	s4 =	smul.u32 $0xC00, s4  }
0x8: {  	s2 =	sadd.s32 $0x7BAA00, s7;
	s7 =	sadd.s32 $0x4BAA00, s7;
	[sflag:s9] =	ssyncpa.u1 $0x0  }
0x9: {  	vm0 =	vmmov $0xff;
	vm1 =	vcmask $0x3F20;
	s9 =	simm.s32 $0x0;
	s8 =	sadd.s32 $0xC00, s4;
	s10 =	smov.u32 s4  }
.LBB2_6:
0xa: {  	[hbm:s15] =	stream.linear.scatter [tilespmem:s12], [sflag:$0x3], $0x400, $0x38;
	[tilespmem:$0x18300] =	vst v63  }
.LBB2_7:
0xb: {  	p1 =	slt.u32 s9, $0x2;
	s11 =	sadd.s32 $0x180, s10  }
0xc: {  	s13 =	smov.u32 s4;
	s9 =	sadd.s32 $0x1, s9;
	p2 =	slt.s32 s11, s8  }
0xd: {  	s13 =	smov.u32 @p2 s11;
	p2 =	sne.s32 s9, $0xA  }
.Ltmp1:
0xe: {  	_ = 	snop;
	(pc) =	sbr.rel @!p2 .LBB2_8-.Ltmp1, $4  }
0xf: {  	s12 =	simm.s32 @!p1 $0x3  }
0x10: {  	_ =	swait.ge @!p1 [sflag:s12], $0xC000  }
0x11: {  	p0 =	por !p0, !p0;
	[sflag:s12] =	ssyncset.done @!p1 $0x0  }
0x12: {  	s11 =	smov.u32 s10;
	s10 =	smov.u32 s13;
	[sflag:s12] =	ssyncadd.s32 @!p1 $0xFFFF4000  }
.LBB2_1:
0x13: {  	p1 =	sgt.u32 s9, $0x7  }
0x14: {  	s12 =	sxor.u32 @!p1 $0xFFFFFFFF, s9  }
0x15: {  	s12 =	sand.u32 @!p1 $0x1, s12  }
0x16: {  	s12 =	smul.u32 @!p1 $0x600, s12  }
0x17: {  	s31 =	sadd.s32 $0xFFFFFFFF, s9;
	s13 =	sshrl.u32 @!p1 s10, $0x3  }
0x18: {  	s14 =	sand.u32 @!p1 $0x7, s10;
	s13 =	sadd.s32 @!p1 s6, s13;
	s12 =	sshrl.u32 @!p1 s12, $0x2  }
0x19: {  	[tilespmem:s12], [sflag:$0x2] =	stream.linear.gather @!p1 [hbm4b:s13+s14], $0x180, $0x38;
	[tilespmem:$0x18300] =	vst v63  }
0x1a: {  	p1 =	sgt.u32 s31, $0x7  }
.Ltmp2:
0x1b: {  	_ = 	snop;
	(pc) =	sbr.rel @p1 .LBB2_7-.Ltmp2, $1  }
0x1c: {  	_ =	sdelay $0x3  }
0x1d: {  	s12 =	simm.s32 $0x1  }
0x1e: {  	s12 =	simm.s32 @!p0 $0x0  }
0x1f: {  	s13 =	smul.u32 $0x600, s12  }
0x20: {  	_ =	swait.ge [sflag:s5], $0x180  }
0x21: {  	[sflag:s5] =	ssyncset.done $0x0;
	s14 =	sshrl.u32 s13, $0x2  }
0x22: {  	[sflag:s5] =	ssyncadd.s32 $0xFFFFFE80;
	s13 =	sadd.s32 $0x0, s14  }
0x23: {  	v0 =	vld.msk [tilespmem:s13+$0x0 ss:$0x1], $0xffff;
	_ =	sdelay $0x4  }
0x24: {  	vm2 =	vgt.s32 v0, $0x0  }
0x25: {  	v0 =	vnsel vm2, $0x0, v0  }
0x26: {  	v0 =	vmin.u32 v0, $0x17FFF  }
0x27: {  	v0 =	vshll.u32 v0, $0x4  }
0x28: {  	s12 =	smul.u32 $0x30000, s12;
	_ =	sdelay $0x1  }
0x29: {  	s12 =	sshrl.u32 s12, $0x2  }
0x2a: {  	s12 =	sor.u32 $0x300, s12  }
0x2b: {  	[tilespmem:s12], [sflag:$0x1] =	stream.indirect_vreg.gather [hbm:s2], $0x80, v0, vm0, $0x38;
	[tilespmem:$0x18300] =	vst v63  }
0x2c: {  	s15 =	sadd.s32 $0x10, s14;
	s13 =	sadd.s32 $0x400, s12  }
0x2d: {  	[tilespmem:s13], [sflag:$0x1] =	stream.indirect_vreg.gather [hbm:s2], $0x80, v0, vm1, $0x38;
	[tilespmem:$0x18300] =	vst v63  }
0x2e: {  	s16 =	simm.s32 $0x80;
	v0 =	vld.msk [tilespmem:s15+$0x0 ss:$0x1], $0xffff;
	s15 =	smov.u32 s12  }
.LBB2_3:
0x2f: {  	p1 =	sne.s32 s16, $0x5C0;
	_ =	sdelay $0x4  }
0x30: {  	vm2 =	vgt.s32 v0, $0x0  }
0x31: {  	v0 =	vnsel vm2, $0x0, v0  }
0x32: {  	v0 =	vmin.u32 v0, $0x17FFF  }
0x33: {  	v0 =	vshll.u32 v0, $0x4;
	_ =	sdelay $0x3  }
.Ltmp3:
0x34: {  	s17 =	sshra.s32 s16, $0x2;
	s15 =	sadd.s32 $0x800, s15;
	(pc) =	sbr.rel @p1 .LBB2_3-.Ltmp3, $4  }
0x35: {  	[tilespmem:s15], [sflag:$0x1] =	stream.indirect_vreg.gather [hbm:s2], $0x80, v0, vm0, $0x38;
	[tilespmem:$0x18300] =	vst v63  }
0x36: {  	s17 =	sadd.s32 s17, s14;
	s18 =	sadd.s32 $0x400, s15  }
0x37: {  	[tilespmem:s18], [sflag:$0x1] =	stream.indirect_vreg.gather [hbm:s2], $0x80, v0, vm1, $0x38;
	[tilespmem:$0x18300] =	vst v63  }
0x38: {  	s16 =	sadd.s32 $0x40, s16;
	v0 =	vld.msk [tilespmem:s17+$0x0 ss:$0x1], $0xffff  }
0x39: {  	_ =	sdelay $0x3  }
0x3a: {  	vm2 =	vgt.s32 v0, $0x0  }
0x3b: {  	v0 =	vnsel vm2, $0x0, v0  }
0x3c: {  	v0 =	vmin.u32 v0, $0x17FFF  }
0x3d: {  	v0 =	vshll.u32 v0, $0x4;
	_ =	sdelay $0x3  }
0x3e: {  	s14 =	sadd.s32 $0x800, s15  }
0x3f: {  	[tilespmem:s14], [sflag:$0x1] =	stream.indirect_vreg.gather [hbm:s2], $0x80, v0, vm0, $0x38;
	[tilespmem:$0x18300] =	vst v63  }
0x40: {  	s14 =	sadd.s32 $0x400, s14  }
0x41: {  	[tilespmem:s14], [sflag:$0x1] =	stream.indirect_vreg.gather [hbm:s2], $0x80, v0, vm1, $0x38;
	[tilespmem:$0x18300] =	vst v63  }
0x42: {  	s11 =	sshll.u32 s11, $0x4;
	_ =	swait.ge [sflag:s3], $0xC000  }
0x43: {  	s11 =	sadd.s32 s11, s7;
	[sflag:s3] =	ssyncset.done $0x0  }
0x44: {  	s15 =	sadd.s32 $0x0, s11;
	s14 =	simm.s32 $0x80;
	[sflag:s3] =	ssyncadd.s32 $0xFFFF4000  }
.LBB2_5:
0x45: {  	[hbm:s15] =	stream.linear.scatter [tilespmem:s12], [sflag:$0x3], $0x400, $0x38;
	[tilespmem:$0x18300] =	vst v63  }
0x46: {  	s15 =	smov.u32 s14;
	s12 =	smov.u32 s13;
	p1 =	sne.s32 s14, $0x1780  }
.Ltmp4:
0x47: {  	s14 =	sadd.s32 $0x80, s14;
	(pc) =	sbr.rel @p1 .LBB2_5-.Ltmp4, $2  }
0x48: {  	_ =	sdelay $0x2  }
0x49: {  	s13 =	sadd.s32 $0x400, s13;
	s15 =	sadd.s32 s15, s11  }
.Ltmp5:
0x4a: {  	_ = 	snop;
	(pc) =	sbr.rel .LBB2_6-.Ltmp5, $1  }
0x4b: {  	_ =	sdelay $0x3  }
.LBB2_8:
0x4c: {  	_ =	sfence.sel $0x180000  }
0x4d: {  	s2 =	simm.s32 $0x2;
	[bflag:$0x0] =	sbarrier.arrive $0xFFFF  }
0x4e: {  	s30 =	simm.s32 $0x3;
	[sflag:s2] =	ssyncpa.u1 $0x1  }
0x4f: {  	s31 =	simm.s32 $0x1;
	[sflag:s30] =	ssyncpa.u1 $0x1  }
0x50: {  	[sflag:s31] =	ssyncpa.u1 $0x1  }
0x51: {  	p0 =	sne.s32 s1, $0x0;
	_ =	strace $0x9000004D  }
0x52: {  	s0 =	sadd.s32 @!p0 $0x100000, s0;
	[bflag:$0x2] =	sbarrier.arrive $0xFFFF  }
0x53: {  	[sflag:s0] =	ssyncadd.tile.s32 @!p0 $0x1;
	_ =	shalt  }
.Lfunc_end2:
_tile_overlayer_lowered:
.L_overlay_start_2:
0x54: {  	(tag) =	ssettag $0x2  }
0x55: {  	s0 =	rddreg [dreg:$0x0];
	s2 =	stileid.u32  }
0x56: {  	s1 =	rddreg [dreg:$0x1];
	p0 =	sne.s32 s2, $0x0  }
0x57: {  	s3 =	rddreg [dreg:$0x2];
	[bflag:$0x3] =	sbarrier.arrive $0xFFFF;
	s2 =	simm.s32 @!p0 $0x1C01  }
0x58: {  	[timem:s3], [sflag:s2] =	dma.local @!p0 [hbm:s0], s1  }
0x59: {  	s0 =	simm.s32 @!p0 $0x1  }
0x5a: {  	_ =	swait.ge @!p0 [sflag:s0], s1  }
0x5b: {  	s1 =	ssub.s32 @!p0 $0x0, s1;
	[sflag:s0] =	ssyncset.done @!p0 $0x0  }
0x5c: {  	[sflag:s0] =	ssyncadd.s32 @!p0 s1  }
0x5d: {  	[bflag:$0x3] =	sbarrier.arrive $0xFFFF  }
0x5e: {  	_ =	shalt  }

// kernel: sparse-core-data-format-call.1.cloned.1.call-start
scs
called_computation.1_lowered:
.L_overlay_start_0:
0x0: {  	s1 =	sld [smem:$0x3FD9]  }
0x1: {  	s2 =	sld [smem:$0x3FFE];
	_ =	sdelay $0x1  }
0x2: {  	s3 =	srdreg.scid  }
0x3: {  	s0 =	sand.u32 $0x1, s3  }
0x4: {  	s17 =	sshll.u32 s0, $0xA;
	s1 =	sadd.s32 s2, s1  }
0x5: {  	s1 =	sadd.s32 s1, s17  }
0x6: {  	[smem:$0x3FB7] =	sst s1  }
0x7: {  	_ = 	snop  }
0x8: {  	(tm) =	ssettm $0x1  }
0x9: {  	s18 =	sld [smem:$0x3FFB];
	_ =	sdelay $0x3  }
0xa: {  	_ =	strace s18  }
0xb: {  	s1 =	sld [smem:$0x3FFC];
	_ =	sdelay $0x3  }
0xc: {  	_ =	strace s1  }
0xd: {  	s1 =	sld [smem:$0x3FFD];
	_ =	sdelay $0x3  }
0xe: {  	_ =	strace s1  }
0xf: {  	_ =	strace $0x8FFFFFFF  }
0x10: {  	s19 =	sld [smem:$0x3FDB];
	_ =	sdelay $0x1  }
0x11: {  	s20 =	simm.s32 $_scs_section_size  }
0x12: {  	s4 =	simm.s32 $_size__tile_overlayer_lowered;
	s5 =	simm.s32 $_tile_overlayer_lowered  }
0x13: {  	s23 =	simm.s32 $0x1BFF;
	s22 =	sshll.u32 s5, $0x1;
	s1 =	sadd.s32 s20, s19  }
0x14: {  	s6 =	simm.s32 $0x0;
	s21 =	sshll.u32 s4, $0x1;
	s4 =	sadd.s32 s22, s1  }
0x15: {  	[timem:s6], [sflag:s23] =	dma.local [hbm:s4], s21  }
0x16: {  	_ =	swait.ge [sflag:s23], s21  }
0x17: {  	s2 =	ssub.s32 $0x0, s21;
	[sflag:s23] =	ssyncset.done $0x0  }
0x18: {  	[sflag:s23] =	ssyncadd.s32 s2;
	_ =	sdelay $0x1  }
0x19: {  	s24 =	simm.s32 $0x1B8B  }
0x1a: {  	_ =	swait.ge [sflag:s24], $0x1  }
0x1b: {  	[sflag:s24] =	ssyncset.done $0x0  }
0x1c: {  	s26 =	simm.s32 $0x1B8E;
	s25 =	sld [smem:$0x3FFE];
	[sflag:s24] =	ssyncadd.s32 $0xFFFFFFFF  }
0x1d: {  	s27 =	simm.s32 $execute0_lowered;
	[smem:$0x3FD2] =	sst s26  }
0x1e: {  	s4 =	sshll.u32 s27, $0x1;
	_ =	strace $0x80000046;
	[dreg:$0x1] =	wrdreg $0xFFFFFFFF  }
0x1f: {  	s28 =	simm.s32 $_size_execute0_lowered;
	s1 =	sadd.s32 s1, s4;
	[dreg:$0x0] =	wrdreg $0x0  }
0x20: {  	s4 =	sshll.u32 s28, $0x1;
	[dreg:$0x2] =	wrdreg s1  }
0x21: {  	[dreg:$0x3] =	wrdreg s4  }
0x22: {  	[dreg:$0x4] =	wrdreg $0xC0  }
0x23: {  	_ =	task [dreg:s6], $0x5FFFF  }
0x24: {  	[dreg:$0x1] =	wrdreg $0xFFFFFFFF  }
0x25: {  	[dreg:$0x0] =	wrdreg $0x60  }
0x26: {  	[dreg:$0x2] =	wrdreg s25  }
0x27: {  	[dreg:$0x3] =	wrdreg $0xA  }
0x28: {  	_ =	task.clear_ibuf [dreg:s6], $0x4FFFF;
	_ =	strace $0x90000046  }
0x29: {  	s29 =	simm.s32 $0xA;
	_ =	strace $0x80000048  }
0x2a: {  	_ =	swait.ge [sflag:s29], $0x1  }
0x2b: {  	[sflag:s29] =	ssyncadd.s32 $0xFFFFFFFF  }
0x2c: {  	_ =	strace $0x90000048  }
0x2d: {  	_ =	sfence  }
0x2e: {  	s30 =	sld [smem:$0x0];
	_ =	sdelay $0x2  }
0x2f: {  	s31 =	sshll.u32 s3, $0xD;
	s3 =	sshrl.u32 s3, $0x2  }
0x30: {  	s2 =	sand.u32 $0x4000, s31;
	s1 =	sadd.s32 s3, s30  }
0x31: {  	s0 =	sor.u32 s2, s0;
	s1 =	sshll.u32 s1, $0x11  }
0x32: {  	s0 =	sor.u32 s1, s0  }
0x33: {  	s0 =	sadd.s32 $0x8F2B, s0  }
0x34: {  	[sflag:s0] =	ssyncadd.remote.s32 $0x1  }
0x35: {  	_ =	sfence.sel $0xFFFF  }
0x36: {  	[dreg:$0x0] =	wrdreg $0xFFFFFFFF;
	(pc) =	sbr.abs _section_cstart, $3  }
0x37: {  	[dreg:$0x1] =	wrdreg $0xFFFFFFFF  }
0x38: {  	_ =	task.clear_ibuf [dreg:s6], $0x2FFFF;
	_ =	strace $0x9FFFFFFF  }
0x39: {  	(tm) =	ssettm $0x7FFFFFFF  }
tec
execute0_lowered:
.L_overlay_start_1:
0x0: {  	(tag) =	ssettag $0x1  }
0x1: {  	s0 =	stileid.u32  }
0x2: {  	s1 =	srdreg.scid;
	s4 =	rddreg [dreg:$0x0]  }
0x3: {  	s8 =	simm.s32 $0x2;
	s2 =	sshll.u32 s0, $0x6;
	s1 =	sshll.u32 s1, $0xA  }
0x4: {  	s16 =	simm.s32 $0x0;
	s9 =	simm.s32 $0x800;
	s1 =	sor.u32 s2, s1  }
0x5: {  	s14 =	simm.s32 $0x0;
	s15 =	simm.s32 $0x0;
	s2 =	sand.u32 $0x780, s1  }
0x6: {  	s12 =	simm.s32 $0x0;
	s7 =	sshll.u32 s0, $0x7;
	s3 =	ssub.s32 $0x1000, s2  }
0x7: {  	s13 =	simm.s32 $0x0;
	s7 =	sand.u32 $0x80, s7;
	s5 =	sand.u32 $0x780, s3  }
0x8: {  	s1 =	rddreg [dreg:$0x1];
	p0 =	sne.s32 s5, $0x0;
	s5 =	simm.s32 $0x1  }
.Ltmp0:
0x9: {  	s6 =	sshrl.u32 s3, $0xB;
	s5 =	simm.s32 @!p0 $0x0;
	(pc) =	sbr.rel .LBB1_1-.Ltmp0, $4  }
0xa: {  	_ =	strace $0x80000047;
	s11 =	smov.u32 s7;
	s6 =	sadd.s32 s5, s6  }
0xb: {  	s10 =	smov.u32 s2;
	s5 =	simm.s32 $0x1;
	s6 =	smul.u32 $0x18, s6  }
0xc: {  	s3 =	sadd.s32 $0x5AAA00, s4;
	s4 =	sadd.s32 $0x81AA00, s4;
	[sflag:s5] =	ssyncpa.u1 $0x0  }
0xd: {  	p0 =	por $0x0, $0x0;
	[sflag:s8] =	ssyncpa.u1 $0x0;
	s8 =	sor.u32 $0x1, s6  }
.LBB1_4:
0xe: {  	v5 =	vld [tilespmem:s19+$0xFFFFFFD0];
	[tilespmem:s20+$0x2040 ss:$0x81] =	vst.msk $0xffff, v1  }
0xf: {  	v58 =	vld [tilespmem:s19+$0xFFFFFFE0];
	[tilespmem:s20+$0x2850 ss:$0x81] =	vst.msk $0xffff, v2  }
0x10: {  	s21 =	sshra.s32 s21, $0x2;
	v59 =	vld [tilespmem:s19+$0xFFFFFFF0];
	[tilespmem:s20+$0x3060 ss:$0x81] =	vst.msk $0xffff, v3  }
0x11: {  	v60 =	vld [tilespmem:s19+$0x0];
	[tilespmem:s20+$0x0 ss:$0x81] =	vst.msk $0xffff, v0;
	s18 =	sadd.s32 s21, s18  }
0x12: {  	v61 =	vld [tilespmem:s19+$0x10];
	s25 =	sshll.u32 s16, $0x8;
	[tilespmem:s18+$0x3870 ss:$0x81] =	vst.msk $0xffff, v4  }
0x13: {  	s26 =	sshll.u32 s14, $0x3;
	v62 =	vld [tilespmem:s19+$0x20];
	s27 =	sshll.u32 s16, $0x7;
	s30 =	sand.u32 $0x78, s14;
	[tilespmem:s18+$0x810 ss:$0x81] =	vst.msk $0xffff, v5  }
0x14: {  	v63 =	vld [tilespmem:s19+$0xFFFFFFC0];
	s15 =	sshll.u32 s15, $0x11;
	s20 =	sand.u32 $0xFF800, s25;
	s21 =	sand.u32 $0xFFC00, s26;
	[tilespmem:s18+$0x1020 ss:$0x81] =	vst.msk $0xffff, v58  }
0x15: {  	s29 =	sand.u32 $0x300, s27;
	s16 =	sand.u32 $0x80, s27;
	s28 =	sadd.s32 s21, s20;
	[tilespmem:s18+$0x1830 ss:$0x81] =	vst.msk $0xffff, v59  }
0x16: {  	s31 =	sand.u32 $0x7, s14;
	s16 =	sor.u32 s30, s16;
	s19 =	sor.u32 s29, s28;
	[tilespmem:s18+$0x2040 ss:$0x81] =	vst.msk $0xffff, v60  }
0x17: {  	s15 =	sadd.s32 s4, s15;
	s16 =	sshrl.u32 s16, $0x3;
	s19 =	sshrl.u32 s19, $0x3;
	[tilespmem:s18+$0x2850 ss:$0x81] =	vst.msk $0xffff, v61  }
0x18: {  	s14 =	sshll.u32 s31, $0x12;
	s15 =	sadd.s32 s16, s15;
	[tilespmem:s18+$0x3060 ss:$0x81] =	vst.msk $0xffff, v62;
	s19 =	sand.u32 $0x1FFE0, s19  }
0x19: {  	s14 =	sor.u32 $0x400, s14;
	[tilespmem:s18+$0x0 ss:$0x81] =	vst.msk $0xffff, v63;
	s15 =	sadd.s32 s19, s15  }
0x1a: {  	[hbm4b:s15+s14] =	stream.strided.scatter [tilespmem:s17], [sflag:$0x2], $0x4000, s9, s14, $0x20;
	[tilespmem:$0x10100] =	vst v63  }
.LBB1_5:
0x1b: {  	s17 =	sadd.s32 $0x800, s10  }
0x1c: {  	s14 =	sadd.s32 $0x100, s11;
	s18 =	smov.u32 s11;
	p2 =	sgt.s32 s17, $0xFFF  }
0x1d: {  	s18 =	smov.u32 @p2 s14  }
0x1e: {  	s14 =	simm.s32 $0x1;
	p3 =	sgt.s32 s18, $0xCF  }
0x1f: {  	s14 =	simm.s32 @!p3 $0x0  }
0x20: {  	s20 =	sadd.s32 s14, s12  }
0x21: {  	s17 =	smov.u32 @p2 s2;
	p2 =	sgt.s32 s20, $0x17  }
0x22: {  	p1 =	slt.u32 s13, $0x2;
	s20 =	simm.s32 @p2 $0x0;
	p2 =	sne.s32 s13, s8  }
.Ltmp1:
0x23: {  	s19 =	simm.s32 @!p1 $0x2;
	(pc) =	sbr.rel @!p2 .LBB1_6-.Ltmp1, $4  }
0x24: {  	s16 =	smov.u32 s10;
	s15 =	smov.u32 s12;
	_ =	swait.ge @!p1 [sflag:s19], $0x4000  }
0x25: {  	p0 =	por !p0, !p0;
	[sflag:s19] =	ssyncset.done @!p1 $0x0;
	s10 =	smov.u32 s17  }
0x26: {  	s18 =	smov.u32 @p3 s7;
	[sflag:s19] =	ssyncadd.s32 @!p1 $0xFFFFC000;
	s14 =	smov.u32 s11  }
0x27: {  	s11 =	smov.u32 s18;
	s13 =	sadd.s32 $0x1, s13;
	s12 =	smov.u32 s20  }
.LBB1_1:
0x28: {  	p1 =	sge.u32 s13, s6  }
0x29: {  	p2 =	sgt.s32 @!p1 s12, $0x17  }
0x2a: {  	s17 =	smov.u32 s12;
	s18 =	sshra.s32 @!p1 s12, $0x1F;
	p2 =	por !p2, p1  }
0x2b: {  	s18 =	sand.u32 @!p1 s18, s12;
	s17 =	simm.s32 @p2 $0x17  }
0x2c: {  	s17 =	ssub.s32 @!p1 s17, s18  }
0x2d: {  	s18 =	sadd.s32 @!p1 $0xFFFFFFE9, s17  }
0x2e: {  	s20 =	smov.u32 s11;
	p2 =	sgt.s32 @!p1 s18, $0x0  }
0x2f: {  	s19 =	sshll.u32 @!p1 s11, $0xC;
	s17 =	ssub.s32 @!p1 $0x18, s17;
	p2 =	por !p2, p1  }
0x30: {  	s21 =	sshra.s32 @!p1 s11, $0x1F;
	s17 =	simm.s32 @!p2 $0x0;
	p2 =	sgt.s32 @!p1 s11, $0x50  }
0x31: {  	s23 =	sshra.s32 @!p1 s10, $0x1F;
	s21 =	sand.u32 @!p1 s21, s11;
	p2 =	por !p2, p1  }
0x32: {  	s19 =	sand.u32 @!p1 $0xFFFF8000, s19;
	s23 =	sand.u32 @!p1 s23, s10;
	s20 =	simm.s32 @p2 $0x50  }
0x33: {  	s18 =	sand.u32 @!p1 $0x78, s10;
	p2 =	sgt.s32 @!p1 s10, $0xF80;
	s20 =	ssub.s32 @!p1 s20, s21  }
0x34: {  	p2 =	por !p2, p1;
	s21 =	smov.u32 s10;
	s22 =	sadd.s32 @!p1 $0xFFFFFFB0, s20  }
0x35: {  	s21 =	simm.s32 @p2 $0xF80;
	s20 =	ssub.s32 @!p1 $0xD0, s20;
	p2 =	sgt.s32 @!p1 s22, $0x7F  }
0x36: {  	s22 =	sshll.u32 @!p1 s10, $0x3;
	s21 =	ssub.s32 @!p1 s21, s23;
	p2 =	por !p2, p1  }
0x37: {  	s19 =	sadd.s32 @!p1 s19, s22;
	s23 =	sadd.s32 @!p1 $0xFFFFF080, s21;
	s20 =	simm.s32 @!p2 $0x0  }
0x38: {  	p2 =	sgt.s32 @!p1 s23, $0x7F;
	s23 =	sshll.u32 @!p1 s11, $0x7;
	s19 =	sshrl.u32 @!p1 s19, $0xC  }
0x39: {  	s17 =	smul.u32 @!p1 s17, s20;
	s20 =	ssub.s32 @!p1 $0x1000, s21;
	p2 =	por !p2, p1  }
0x3a: {  	s21 =	sand.u32 @!p1 $0x380, s23;
	s23 =	smulhi.u32 @!p1 $0x13B13B2, s19;
	s20 =	simm.s32 @!p2 $0x0  }
0x3b: {  	s31 =	sadd.s32 $0xFFFFFFFF, s13;
	s18 =	sor.u32 @!p1 s21, s18;
	s17 =	smul.u32 @!p1 s20, s17  }
0x3c: {  	s21 =	sand.u32 @!p1 $0xC00, s22;
	s20 =	sxor.u32 @!p1 $0xFFFFFFFF, s13;
	s22 =	smul.u32 @!p1 $0xD0, s23  }
0x3d: {  	s18 =	sor.u32 @!p1 s21, s18;
	s21 =	smul.u32 @!p1 $0x1A000, s12;
	s20 =	sshll.u32 @!p1 s20, $0xE  }
0x3e: {  	s18 =	sshrl.u32 @!p1 s18, $0x3;
	s20 =	sand.u32 @!p1 $0x4000, s20;
	s19 =	ssub.s32 @!p1 s19, s22  }
0x3f: {  	s17 =	sand.u32 @!p1 $0x3FFFFFFF, s17;
	s21 =	sadd.s32 @!p1 s3, s21;
	s22 =	sand.u32 @!p1 $0x7, s10  }
0x40: {  	s19 =	sshll.u32 @!p1 s19, $0x9;
	s18 =	sadd.s32 @!p1 s18, s21;
	s21 =	sshll.u32 @!p1 s22, $0x12  }
0x41: {  	s18 =	sadd.s32 @!p1 s19, s18;
	s19 =	sor.u32 @!p1 $0x400, s21;
	s21 =	simm.s32 @!p1 $0x8000  }
0x42: {  	[tilespmem:s20], [sflag:$0x1] =	stream.strided.gather @!p1 [hbm4b:s18+s19], s17, s21, s19, $0x38;
	[tilespmem:$0x10100] =	vst v63  }
0x43: {  	p1 =	sge.u32 s31, s6  }
.Ltmp2:
0x44: {  	_ = 	snop;
	(pc) =	sbr.rel @p1 .LBB1_5-.Ltmp2, $1  }
0x45: {  	_ =	sdelay $0x3  }
0x46: {  	p1 =	sgt.s32 s15, $0x17;
	s17 =	smov.u32 s15;
	s18 =	sshra.s32 s15, $0x1F  }
0x47: {  	s17 =	simm.s32 @!p1 $0x17;
	s18 =	sand.u32 s18, s15  }
0x48: {  	s17 =	ssub.s32 s17, s18  }
0x49: {  	p2 =	sgt.s32 s14, $0x50;
	s19 =	sshra.s32 s14, $0x1F;
	s18 =	sadd.s32 $0xFFFFFFE9, s17  }
0x4a: {  	s20 =	sshra.s32 s16, $0x1F;
	p1 =	sgt.s32 s18, $0x0;
	s18 =	smov.u32 s14  }
0x4b: {  	s19 =	sand.u32 s19, s14;
	s20 =	sand.u32 s20, s16;
	s18 =	simm.s32 @!p2 $0x50  }
0x4c: {  	p2 =	sgt.s32 s16, $0xF80;
	s18 =	ssub.s32 s18, s19;
	s19 =	smov.u32 s16  }
0x4d: {  	s17 =	ssub.s32 $0x18, s17;
	s21 =	sadd.s32 $0xFFFFFFB0, s18;
	s19 =	simm.s32 @!p2 $0xF80  }
0x4e: {  	s18 =	ssub.s32 $0xD0, s18;
	p2 =	sgt.s32 s21, $0x7F;
	s19 =	ssub.s32 s19, s20  }
0x4f: {  	s17 =	simm.s32 @p1 $0x0;
	s18 =	simm.s32 @p2 $0x0;
	s20 =	sadd.s32 $0xFFFFF080, s19  }
0x50: {  	s17 =	smul.u32 s17, s18;
	p1 =	sgt.s32 s20, $0x7F;
	s18 =	ssub.s32 $0x1000, s19  }
0x51: {  	s18 =	simm.s32 @p1 $0x0  }
0x52: {  	s17 =	smul.u32 s18, s17;
	_ =	sdelay $0x1  }
0x53: {  	s18 =	simm.s32 $0x1;
	s17 =	sand.u32 $0x3FFFFFFF, s17  }
0x54: {  	s18 =	simm.s32 @!p0 $0x0;
	_ =	swait.ge [sflag:s5], s17  }
0x55: {  	s29 =	sshll.u32 s18, $0xE;
	s17 =	ssub.s32 $0x0, s17;
	[sflag:s5] =	ssyncset.done $0x0  }
0x56: {  	s19 =	sor.u32 $0x40, s29;
	[sflag:s5] =	ssyncadd.s32 s17  }
0x57: {  	s30 =	smul.u32 $0x10200, s18;
	v0 =	vld [tilespmem:s19+$0x30]  }
0x58: {  	v3 =	vld [tilespmem:s19+$0xFFFFFFD0]  }
0x59: {  	s17 =	sshrl.u32 s30, $0x2;
	v4 =	vld [tilespmem:s19+$0xFFFFFFE0]  }
0x5a: {  	s18 =	sor.u32 $0x8000, s17;
	v5 =	vld [tilespmem:s19+$0xFFFFFFF0]  }
0x5b: {  	s31 =	sand.u32 $0x1, s13;
	v1 =	vld [tilespmem:s19+$0x0];
	s20 =	sadd.s32 $0x0, s18  }
0x5c: {  	s17 =	smul.u32 $0x10200, s31;
	v2 =	vld [tilespmem:s19+$0x10];
	[tilespmem:s20+$0x3870 ss:$0x81] =	vst.msk $0xffff, v0  }
0x5d: {  	[tilespmem:s20+$0x810 ss:$0x81] =	vst.msk $0xffff, v3;
	v3 =	vld [tilespmem:s19+$0x20]  }
0x5e: {  	s17 =	sshrl.u32 s17, $0x2;
	v0 =	vld [tilespmem:s19+$0xFFFFFFC0];
	[tilespmem:s20+$0x1020 ss:$0x81] =	vst.msk $0xffff, v4;
	s19 =	sadd.s32 $0x80, s19  }
0x5f: {  	s22 =	simm.s32 $0x8;
	s21 =	simm.s32 $0x4;
	s17 =	sor.u32 $0x8000, s17;
	[tilespmem:s20+$0x1830 ss:$0x81] =	vst.msk $0xffff, v5;
	v4 =	vld [tilespmem:s19+$0x30]  }
.LBB1_3:
0x60: {  	p1 =	sne.s32 s22, $0x1FC;
	v5 =	vld [tilespmem:s19+$0xFFFFFFD0];
	[tilespmem:s20+$0x2040 ss:$0x81] =	vst.msk $0xffff, v1  }
0x61: {  	v6 =	vld [tilespmem:s19+$0xFFFFFFE0];
	[tilespmem:s20+$0x2850 ss:$0x81] =	vst.msk $0xffff, v2  }
0x62: {  	s23 =	sshra.s32 s21, $0x2;
	s21 =	smov.u32 s22;
	v7 =	vld [tilespmem:s19+$0xFFFFFFF0];
	[tilespmem:s20+$0x3060 ss:$0x81] =	vst.msk $0xffff, v3  }
.Ltmp3:
0x63: {  	v1 =	vld [tilespmem:s19+$0x0];
	[tilespmem:s20+$0x0 ss:$0x81] =	vst.msk $0xffff, v0;
	s20 =	sadd.s32 s23, s18;
	(pc) =	sbr.rel @p1 .LBB1_3-.Ltmp3, $4  }
0x64: {  	v2 =	vld [tilespmem:s19+$0x10];
	[tilespmem:s20+$0x3870 ss:$0x81] =	vst.msk $0xffff, v4  }
0x65: {  	[tilespmem:s20+$0x810 ss:$0x81] =	vst.msk $0xffff, v5;
	v3 =	vld [tilespmem:s19+$0x20]  }
0x66: {  	v0 =	vld [tilespmem:s19+$0xFFFFFFC0];
	[tilespmem:s20+$0x1020 ss:$0x81] =	vst.msk $0xffff, v6;
	s19 =	sadd.s32 $0x80, s19  }
0x67: {  	s22 =	sadd.s32 $0x4, s22;
	v4 =	vld [tilespmem:s19+$0x30];
	[tilespmem:s20+$0x1830 ss:$0x81] =	vst.msk $0xffff, v7  }
.Ltmp4:
0x68: {  	_ = 	snop;
	(pc) =	sbr.rel .LBB1_4-.Ltmp4, $1  }
0x69: {  	_ =	sdelay $0x3  }
.LBB1_6:
0x6a: {  	_ =	sfence.sel $0x180000  }
0x6b: {  	s2 =	simm.s32 $0x1;
	[bflag:$0x0] =	sbarrier.arrive $0xFFFF  }
0x6c: {  	s31 =	simm.s32 $0x2;
	[sflag:s2] =	ssyncpa.u1 $0x1  }
0x6d: {  	[sflag:s31] =	ssyncpa.u1 $0x1  }
0x6e: {  	p0 =	sne.s32 s0, $0x0;
	_ =	strace $0x90000047  }
0x6f: {  	s0 =	sadd.s32 @!p0 $0x100000, s1;
	[bflag:$0x2] =	sbarrier.arrive $0xFFFF  }
0x70: {  	[sflag:s0] =	ssyncadd.tile.s32 @!p0 $0x1;
	_ =	shalt  }
.Lfunc_end1:
_tile_overlayer_lowered:
.L_overlay_start_2:
0x71: {  	(tag) =	ssettag $0x2  }
0x72: {  	s0 =	rddreg [dreg:$0x0];
	s2 =	stileid.u32  }
0x73: {  	s1 =	rddreg [dreg:$0x1];
	p0 =	sne.s32 s2, $0x0  }
0x74: {  	s3 =	rddreg [dreg:$0x2];
	[bflag:$0x3] =	sbarrier.arrive $0xFFFF;
	s2 =	simm.s32 @!p0 $0x1C01  }
0x75: {  	[timem:s3], [sflag:s2] =	dma.local @!p0 [hbm:s0], s1  }
0x76: {  	s0 =	simm.s32 @!p0 $0x1  }
0x77: {  	_ =	swait.ge @!p0 [sflag:s0], s1  }
0x78: {  	s1 =	ssub.s32 @!p0 $0x0, s1;
	[sflag:s0] =	ssyncset.done @!p0 $0x0  }
0x79: {  	[sflag:s0] =	ssyncadd.s32 @!p0 s1  }
0x7a: {  	[bflag:$0x3] =	sbarrier.arrive $0xFFFF  }
0x7b: {  	_ =	shalt  }

// kernel: sparse-core-data-format-call.cloned.1.call-start
scs
called_computation_lowered:
.L_overlay_start_0:
0x0: {  	s1 =	sld [smem:$0x3FD9]  }
0x1: {  	s2 =	sld [smem:$0x3FFE];
	_ =	sdelay $0x1  }
0x2: {  	s3 =	srdreg.scid  }
0x3: {  	s0 =	sand.u32 $0x1, s3  }
0x4: {  	s17 =	sshll.u32 s0, $0xA;
	s1 =	sadd.s32 s2, s1  }
0x5: {  	s1 =	sadd.s32 s1, s17  }
0x6: {  	[smem:$0x3FB7] =	sst s1  }
0x7: {  	_ = 	snop  }
0x8: {  	(tm) =	ssettm $0x1  }
0x9: {  	s18 =	sld [smem:$0x3FFB];
	_ =	sdelay $0x3  }
0xa: {  	_ =	strace s18  }
0xb: {  	s1 =	sld [smem:$0x3FFC];
	_ =	sdelay $0x3  }
0xc: {  	_ =	strace s1  }
0xd: {  	s1 =	sld [smem:$0x3FFD];
	_ =	sdelay $0x3  }
0xe: {  	_ =	strace s1  }
0xf: {  	_ =	strace $0x8FFFFFFF  }
0x10: {  	s19 =	sld [smem:$0x3FDB];
	_ =	sdelay $0x1  }
0x11: {  	s20 =	simm.s32 $_scs_section_size  }
0x12: {  	s4 =	simm.s32 $_size__tile_overlayer_lowered;
	s5 =	simm.s32 $_tile_overlayer_lowered  }
0x13: {  	s23 =	simm.s32 $0x1BFF;
	s22 =	sshll.u32 s5, $0x1;
	s1 =	sadd.s32 s20, s19  }
0x14: {  	s6 =	simm.s32 $0x0;
	s21 =	sshll.u32 s4, $0x1;
	s4 =	sadd.s32 s22, s1  }
0x15: {  	[timem:s6], [sflag:s23] =	dma.local [hbm:s4], s21  }
0x16: {  	_ =	swait.ge [sflag:s23], s21  }
0x17: {  	s2 =	ssub.s32 $0x0, s21;
	[sflag:s23] =	ssyncset.done $0x0  }
0x18: {  	[sflag:s23] =	ssyncadd.s32 s2;
	_ =	sdelay $0x1  }
0x19: {  	s24 =	simm.s32 $0x1B8B  }
0x1a: {  	_ =	swait.ge [sflag:s24], $0x1  }
0x1b: {  	[sflag:s24] =	ssyncset.done $0x0  }
0x1c: {  	s26 =	simm.s32 $0x1B8E;
	s25 =	sld [smem:$0x3FFE];
	[sflag:s24] =	ssyncadd.s32 $0xFFFFFFFF  }
0x1d: {  	s27 =	simm.s32 $execute0_lowered;
	[smem:$0x3FD2] =	sst s26  }
0x1e: {  	s4 =	sshll.u32 s27, $0x1;
	_ =	strace $0x8000004F;
	[dreg:$0x1] =	wrdreg $0xFFFFFFFF  }
0x1f: {  	s28 =	simm.s32 $_size_execute0_lowered;
	s1 =	sadd.s32 s1, s4;
	[dreg:$0x0] =	wrdreg $0x0  }
0x20: {  	s4 =	sshll.u32 s28, $0x1;
	[dreg:$0x2] =	wrdreg s1  }
0x21: {  	[dreg:$0x3] =	wrdreg s4  }
0x22: {  	[dreg:$0x4] =	wrdreg $0xC0  }
0x23: {  	_ =	task [dreg:s6], $0x5FFFF  }
0x24: {  	[dreg:$0x1] =	wrdreg $0xFFFFFFFF  }
0x25: {  	[dreg:$0x0] =	wrdreg $0x60  }
0x26: {  	[dreg:$0x2] =	wrdreg s25  }
0x27: {  	[dreg:$0x3] =	wrdreg $0xA  }
0x28: {  	_ =	task.clear_ibuf [dreg:s6], $0x4FFFF;
	_ =	strace $0x9000004F  }
0x29: {  	s29 =	simm.s32 $0xA;
	_ =	strace $0x80000051  }
0x2a: {  	_ =	swait.ge [sflag:s29], $0x1  }
0x2b: {  	[sflag:s29] =	ssyncadd.s32 $0xFFFFFFFF  }
0x2c: {  	_ =	strace $0x90000051  }
0x2d: {  	_ =	sfence  }
0x2e: {  	s30 =	sld [smem:$0x0];
	_ =	sdelay $0x2  }
0x2f: {  	s31 =	sshll.u32 s3, $0xD;
	s3 =	sshrl.u32 s3, $0x2  }
0x30: {  	s2 =	sand.u32 $0x4000, s31;
	s1 =	sadd.s32 s3, s30  }
0x31: {  	s0 =	sor.u32 s2, s0;
	s1 =	sshll.u32 s1, $0x11  }
0x32: {  	s0 =	sor.u32 s1, s0  }
0x33: {  	s0 =	sadd.s32 $0x8F2B, s0  }
0x34: {  	[sflag:s0] =	ssyncadd.remote.s32 $0x1  }
0x35: {  	_ =	sfence.sel $0xFFFF  }
0x36: {  	[dreg:$0x0] =	wrdreg $0xFFFFFFFF;
	(pc) =	sbr.abs _section_cstart, $3  }
0x37: {  	[dreg:$0x1] =	wrdreg $0xFFFFFFFF  }
0x38: {  	_ =	task.clear_ibuf [dreg:s6], $0x2FFFF;
	_ =	strace $0x9FFFFFFF  }
0x39: {  	(tm) =	ssettm $0x7FFFFFFF  }
tec
execute0_lowered:
.L_overlay_start_1:
0x0: {  	(tag) =	ssettag $0x1  }
0x1: {  	s0 =	stileid.u32  }
0x2: {  	s1 =	srdreg.scid;
	s4 =	rddreg [dreg:$0x0]  }
0x3: {  	s8 =	simm.s32 $0x2;
	s2 =	sshll.u32 s0, $0x6;
	s1 =	sshll.u32 s1, $0xA  }
0x4: {  	s16 =	simm.s32 $0x0;
	s9 =	simm.s32 $0x800;
	s1 =	sor.u32 s2, s1  }
0x5: {  	s14 =	simm.s32 $0x0;
	s15 =	simm.s32 $0x0;
	s2 =	sand.u32 $0x780, s1  }
0x6: {  	s12 =	simm.s32 $0x0;
	s7 =	sshll.u32 s0, $0x7;
	s3 =	ssub.s32 $0x1000, s2  }
0x7: {  	s13 =	simm.s32 $0x0;
	s7 =	sand.u32 $0x80, s7;
	s5 =	sand.u32 $0x780, s3  }
0x8: {  	s1 =	rddreg [dreg:$0x1];
	p0 =	sne.s32 s5, $0x0;
	s5 =	simm.s32 $0x1  }
.Ltmp0:
0x9: {  	s6 =	sshrl.u32 s3, $0xB;
	s5 =	simm.s32 @!p0 $0x0;
	(pc) =	sbr.rel .LBB1_1-.Ltmp0, $4  }
0xa: {  	_ =	strace $0x80000050;
	s11 =	smov.u32 s7;
	s6 =	sadd.s32 s5, s6  }
0xb: {  	s10 =	smov.u32 s2;
	s5 =	simm.s32 $0x1;
	s6 =	smul.u32 $0x18, s6  }
0xc: {  	s3 =	sadd.s32 $0x4CA600, s4;
	s4 =	sadd.s32 $0x73A600, s4;
	[sflag:s5] =	ssyncpa.u1 $0x0  }
0xd: {  	p0 =	por $0x0, $0x0;
	[sflag:s8] =	ssyncpa.u1 $0x0;
	s8 =	sor.u32 $0x1, s6  }
.LBB1_4:
0xe: {  	v5 =	vld [tilespmem:s19+$0xFFFFFFD0];
	[tilespmem:s20+$0x2040 ss:$0x81] =	vst.msk $0xffff, v1  }
0xf: {  	v58 =	vld [tilespmem:s19+$0xFFFFFFE0];
	[tilespmem:s20+$0x2850 ss:$0x81] =	vst.msk $0xffff, v2  }
0x10: {  	s21 =	sshra.s32 s21, $0x2;
	v59 =	vld [tilespmem:s19+$0xFFFFFFF0];
	[tilespmem:s20+$0x3060 ss:$0x81] =	vst.msk $0xffff, v3  }
0x11: {  	v60 =	vld [tilespmem:s19+$0x0];
	[tilespmem:s20+$0x0 ss:$0x81] =	vst.msk $0xffff, v0;
	s18 =	sadd.s32 s21, s18  }
0x12: {  	v61 =	vld [tilespmem:s19+$0x10];
	s25 =	sshll.u32 s16, $0x8;
	[tilespmem:s18+$0x3870 ss:$0x81] =	vst.msk $0xffff, v4  }
0x13: {  	s26 =	sshll.u32 s14, $0x3;
	v62 =	vld [tilespmem:s19+$0x20];
	s27 =	sshll.u32 s16, $0x7;
	s30 =	sand.u32 $0x78, s14;
	[tilespmem:s18+$0x810 ss:$0x81] =	vst.msk $0xffff, v5  }
0x14: {  	v63 =	vld [tilespmem:s19+$0xFFFFFFC0];
	s15 =	sshll.u32 s15, $0x11;
	s20 =	sand.u32 $0xFF800, s25;
	s21 =	sand.u32 $0xFFC00, s26;
	[tilespmem:s18+$0x1020 ss:$0x81] =	vst.msk $0xffff, v58  }
0x15: {  	s29 =	sand.u32 $0x300, s27;
	s16 =	sand.u32 $0x80, s27;
	s28 =	sadd.s32 s21, s20;
	[tilespmem:s18+$0x1830 ss:$0x81] =	vst.msk $0xffff, v59  }
0x16: {  	s31 =	sand.u32 $0x7, s14;
	s16 =	sor.u32 s30, s16;
	s19 =	sor.u32 s29, s28;
	[tilespmem:s18+$0x2040 ss:$0x81] =	vst.msk $0xffff, v60  }
0x17: {  	s15 =	sadd.s32 s4, s15;
	s16 =	sshrl.u32 s16, $0x3;
	s19 =	sshrl.u32 s19, $0x3;
	[tilespmem:s18+$0x2850 ss:$0x81] =	vst.msk $0xffff, v61  }
0x18: {  	s14 =	sshll.u32 s31, $0x12;
	s15 =	sadd.s32 s16, s15;
	[tilespmem:s18+$0x3060 ss:$0x81] =	vst.msk $0xffff, v62;
	s19 =	sand.u32 $0x1FFE0, s19  }
0x19: {  	s14 =	sor.u32 $0x400, s14;
	[tilespmem:s18+$0x0 ss:$0x81] =	vst.msk $0xffff, v63;
	s15 =	sadd.s32 s19, s15  }
0x1a: {  	[hbm4b:s15+s14] =	stream.strided.scatter [tilespmem:s17], [sflag:$0x2], $0x4000, s9, s14, $0x20;
	[tilespmem:$0x10100] =	vst v63  }
.LBB1_5:
0x1b: {  	s17 =	sadd.s32 $0x800, s10  }
0x1c: {  	s14 =	sadd.s32 $0x100, s11;
	s18 =	smov.u32 s11;
	p2 =	sgt.s32 s17, $0xFFF  }
0x1d: {  	s18 =	smov.u32 @p2 s14  }
0x1e: {  	s14 =	simm.s32 $0x1;
	p3 =	sgt.s32 s18, $0xCF  }
0x1f: {  	s14 =	simm.s32 @!p3 $0x0  }
0x20: {  	s20 =	sadd.s32 s14, s12  }
0x21: {  	s17 =	smov.u32 @p2 s2;
	p2 =	sgt.s32 s20, $0x17  }
0x22: {  	p1 =	slt.u32 s13, $0x2;
	s20 =	simm.s32 @p2 $0x0;
	p2 =	sne.s32 s13, s8  }
.Ltmp1:
0x23: {  	s19 =	simm.s32 @!p1 $0x2;
	(pc) =	sbr.rel @!p2 .LBB1_6-.Ltmp1, $4  }
0x24: {  	s16 =	smov.u32 s10;
	s15 =	smov.u32 s12;
	_ =	swait.ge @!p1 [sflag:s19], $0x4000  }
0x25: {  	p0 =	por !p0, !p0;
	[sflag:s19] =	ssyncset.done @!p1 $0x0;
	s10 =	smov.u32 s17  }
0x26: {  	s18 =	smov.u32 @p3 s7;
	[sflag:s19] =	ssyncadd.s32 @!p1 $0xFFFFC000;
	s14 =	smov.u32 s11  }
0x27: {  	s11 =	smov.u32 s18;
	s13 =	sadd.s32 $0x1, s13;
	s12 =	smov.u32 s20  }
.LBB1_1:
0x28: {  	p1 =	sge.u32 s13, s6  }
0x29: {  	p2 =	sgt.s32 @!p1 s12, $0x17  }
0x2a: {  	s17 =	smov.u32 s12;
	s18 =	sshra.s32 @!p1 s12, $0x1F;
	p2 =	por !p2, p1  }
0x2b: {  	s18 =	sand.u32 @!p1 s18, s12;
	s17 =	simm.s32 @p2 $0x17  }
0x2c: {  	s17 =	ssub.s32 @!p1 s17, s18  }
0x2d: {  	s18 =	sadd.s32 @!p1 $0xFFFFFFE9, s17  }
0x2e: {  	s20 =	smov.u32 s11;
	p2 =	sgt.s32 @!p1 s18, $0x0  }
0x2f: {  	s19 =	sshll.u32 @!p1 s11, $0xC;
	s17 =	ssub.s32 @!p1 $0x18, s17;
	p2 =	por !p2, p1  }
0x30: {  	s21 =	sshra.s32 @!p1 s11, $0x1F;
	s17 =	simm.s32 @!p2 $0x0;
	p2 =	sgt.s32 @!p1 s11, $0x50  }
0x31: {  	s23 =	sshra.s32 @!p1 s10, $0x1F;
	s21 =	sand.u32 @!p1 s21, s11;
	p2 =	por !p2, p1  }
0x32: {  	s19 =	sand.u32 @!p1 $0xFFFF8000, s19;
	s23 =	sand.u32 @!p1 s23, s10;
	s20 =	simm.s32 @p2 $0x50  }
0x33: {  	s18 =	sand.u32 @!p1 $0x78, s10;
	p2 =	sgt.s32 @!p1 s10, $0xF80;
	s20 =	ssub.s32 @!p1 s20, s21  }
0x34: {  	p2 =	por !p2, p1;
	s21 =	smov.u32 s10;
	s22 =	sadd.s32 @!p1 $0xFFFFFFB0, s20  }
0x35: {  	s21 =	simm.s32 @p2 $0xF80;
	s20 =	ssub.s32 @!p1 $0xD0, s20;
	p2 =	sgt.s32 @!p1 s22, $0x7F  }
0x36: {  	s22 =	sshll.u32 @!p1 s10, $0x3;
	s21 =	ssub.s32 @!p1 s21, s23;
	p2 =	por !p2, p1  }
0x37: {  	s19 =	sadd.s32 @!p1 s19, s22;
	s23 =	sadd.s32 @!p1 $0xFFFFF080, s21;
	s20 =	simm.s32 @!p2 $0x0  }
0x38: {  	p2 =	sgt.s32 @!p1 s23, $0x7F;
	s23 =	sshll.u32 @!p1 s11, $0x7;
	s19 =	sshrl.u32 @!p1 s19, $0xC  }
0x39: {  	s17 =	smul.u32 @!p1 s17, s20;
	s20 =	ssub.s32 @!p1 $0x1000, s21;
	p2 =	por !p2, p1  }
0x3a: {  	s21 =	sand.u32 @!p1 $0x380, s23;
	s23 =	smulhi.u32 @!p1 $0x13B13B2, s19;
	s20 =	simm.s32 @!p2 $0x0  }
0x3b: {  	s31 =	sadd.s32 $0xFFFFFFFF, s13;
	s18 =	sor.u32 @!p1 s21, s18;
	s17 =	smul.u32 @!p1 s20, s17  }
0x3c: {  	s21 =	sand.u32 @!p1 $0xC00, s22;
	s20 =	sxor.u32 @!p1 $0xFFFFFFFF, s13;
	s22 =	smul.u32 @!p1 $0xD0, s23  }
0x3d: {  	s18 =	sor.u32 @!p1 s21, s18;
	s21 =	smul.u32 @!p1 $0x1A000, s12;
	s20 =	sshll.u32 @!p1 s20, $0xE  }
0x3e: {  	s18 =	sshrl.u32 @!p1 s18, $0x3;
	s20 =	sand.u32 @!p1 $0x4000, s20;
	s19 =	ssub.s32 @!p1 s19, s22  }
0x3f: {  	s17 =	sand.u32 @!p1 $0x3FFFFFFF, s17;
	s21 =	sadd.s32 @!p1 s3, s21;
	s22 =	sand.u32 @!p1 $0x7, s10  }
0x40: {  	s19 =	sshll.u32 @!p1 s19, $0x9;
	s18 =	sadd.s32 @!p1 s18, s21;
	s21 =	sshll.u32 @!p1 s22, $0x12  }
0x41: {  	s18 =	sadd.s32 @!p1 s19, s18;
	s19 =	sor.u32 @!p1 $0x400, s21;
	s21 =	simm.s32 @!p1 $0x8000  }
0x42: {  	[tilespmem:s20], [sflag:$0x1] =	stream.strided.gather @!p1 [hbm4b:s18+s19], s17, s21, s19, $0x38;
	[tilespmem:$0x10100] =	vst v63  }
0x43: {  	p1 =	sge.u32 s31, s6  }
.Ltmp2:
0x44: {  	_ = 	snop;
	(pc) =	sbr.rel @p1 .LBB1_5-.Ltmp2, $1  }
0x45: {  	_ =	sdelay $0x3  }
0x46: {  	p1 =	sgt.s32 s15, $0x17;
	s17 =	smov.u32 s15;
	s18 =	sshra.s32 s15, $0x1F  }
0x47: {  	s17 =	simm.s32 @!p1 $0x17;
	s18 =	sand.u32 s18, s15  }
0x48: {  	s17 =	ssub.s32 s17, s18  }
0x49: {  	p2 =	sgt.s32 s14, $0x50;
	s19 =	sshra.s32 s14, $0x1F;
	s18 =	sadd.s32 $0xFFFFFFE9, s17  }
0x4a: {  	s20 =	sshra.s32 s16, $0x1F;
	p1 =	sgt.s32 s18, $0x0;
	s18 =	smov.u32 s14  }
0x4b: {  	s19 =	sand.u32 s19, s14;
	s20 =	sand.u32 s20, s16;
	s18 =	simm.s32 @!p2 $0x50  }
0x4c: {  	p2 =	sgt.s32 s16, $0xF80;
	s18 =	ssub.s32 s18, s19;
	s19 =	smov.u32 s16  }
0x4d: {  	s17 =	ssub.s32 $0x18, s17;
	s21 =	sadd.s32 $0xFFFFFFB0, s18;
	s19 =	simm.s32 @!p2 $0xF80  }
0x4e: {  	s18 =	ssub.s32 $0xD0, s18;
	p2 =	sgt.s32 s21, $0x7F;
	s19 =	ssub.s32 s19, s20  }
0x4f: {  	s17 =	simm.s32 @p1 $0x0;
	s18 =	simm.s32 @p2 $0x0;
	s20 =	sadd.s32 $0xFFFFF080, s19  }
0x50: {  	s17 =	smul.u32 s17, s18;
	p1 =	sgt.s32 s20, $0x7F;
	s18 =	ssub.s32 $0x1000, s19  }
0x51: {  	s18 =	simm.s32 @p1 $0x0  }
0x52: {  	s17 =	smul.u32 s18, s17;
	_ =	sdelay $0x1  }
0x53: {  	s18 =	simm.s32 $0x1;
	s17 =	sand.u32 $0x3FFFFFFF, s17  }
0x54: {  	s18 =	simm.s32 @!p0 $0x0;
	_ =	swait.ge [sflag:s5], s17  }
0x55: {  	s29 =	sshll.u32 s18, $0xE;
	s17 =	ssub.s32 $0x0, s17;
	[sflag:s5] =	ssyncset.done $0x0  }
0x56: {  	s19 =	sor.u32 $0x40, s29;
	[sflag:s5] =	ssyncadd.s32 s17  }
0x57: {  	s30 =	smul.u32 $0x10200, s18;
	v0 =	vld [tilespmem:s19+$0x30]  }
0x58: {  	v3 =	vld [tilespmem:s19+$0xFFFFFFD0]  }
0x59: {  	s17 =	sshrl.u32 s30, $0x2;
	v4 =	vld [tilespmem:s19+$0xFFFFFFE0]  }
0x5a: {  	s18 =	sor.u32 $0x8000, s17;
	v5 =	vld [tilespmem:s19+$0xFFFFFFF0]  }
0x5b: {  	s31 =	sand.u32 $0x1, s13;
	v1 =	vld [tilespmem:s19+$0x0];
	s20 =	sadd.s32 $0x0, s18  }
0x5c: {  	s17 =	smul.u32 $0x10200, s31;
	v2 =	vld [tilespmem:s19+$0x10];
	[tilespmem:s20+$0x3870 ss:$0x81] =	vst.msk $0xffff, v0  }
0x5d: {  	[tilespmem:s20+$0x810 ss:$0x81] =	vst.msk $0xffff, v3;
	v3 =	vld [tilespmem:s19+$0x20]  }
0x5e: {  	s17 =	sshrl.u32 s17, $0x2;
	v0 =	vld [tilespmem:s19+$0xFFFFFFC0];
	[tilespmem:s20+$0x1020 ss:$0x81] =	vst.msk $0xffff, v4;
	s19 =	sadd.s32 $0x80, s19  }
0x5f: {  	s22 =	simm.s32 $0x8;
	s21 =	simm.s32 $0x4;
	s17 =	sor.u32 $0x8000, s17;
	[tilespmem:s20+$0x1830 ss:$0x81] =	vst.msk $0xffff, v5;
	v4 =	vld [tilespmem:s19+$0x30]  }
.LBB1_3:
0x60: {  	p1 =	sne.s32 s22, $0x1FC;
	v5 =	vld [tilespmem:s19+$0xFFFFFFD0];
	[tilespmem:s20+$0x2040 ss:$0x81] =	vst.msk $0xffff, v1  }
0x61: {  	v6 =	vld [tilespmem:s19+$0xFFFFFFE0];
	[tilespmem:s20+$0x2850 ss:$0x81] =	vst.msk $0xffff, v2  }
0x62: {  	s23 =	sshra.s32 s21, $0x2;
	s21 =	smov.u32 s22;
	v7 =	vld [tilespmem:s19+$0xFFFFFFF0];
	[tilespmem:s20+$0x3060 ss:$0x81] =	vst.msk $0xffff, v3  }
.Ltmp3:
0x63: {  	v1 =	vld [tilespmem:s19+$0x0];
	[tilespmem:s20+$0x0 ss:$0x81] =	vst.msk $0xffff, v0;
	s20 =	sadd.s32 s23, s18;
	(pc) =	sbr.rel @p1 .LBB1_3-.Ltmp3, $4  }
0x64: {  	v2 =	vld [tilespmem:s19+$0x10];
	[tilespmem:s20+$0x3870 ss:$0x81] =	vst.msk $0xffff, v4  }
0x65: {  	[tilespmem:s20+$0x810 ss:$0x81] =	vst.msk $0xffff, v5;
	v3 =	vld [tilespmem:s19+$0x20]  }
0x66: {  	v0 =	vld [tilespmem:s19+$0xFFFFFFC0];
	[tilespmem:s20+$0x1020 ss:$0x81] =	vst.msk $0xffff, v6;
	s19 =	sadd.s32 $0x80, s19  }
0x67: {  	s22 =	sadd.s32 $0x4, s22;
	v4 =	vld [tilespmem:s19+$0x30];
	[tilespmem:s20+$0x1830 ss:$0x81] =	vst.msk $0xffff, v7  }
.Ltmp4:
0x68: {  	_ = 	snop;
	(pc) =	sbr.rel .LBB1_4-.Ltmp4, $1  }
0x69: {  	_ =	sdelay $0x3  }
.LBB1_6:
0x6a: {  	_ =	sfence.sel $0x180000  }
0x6b: {  	s2 =	simm.s32 $0x1;
	[bflag:$0x0] =	sbarrier.arrive $0xFFFF  }
0x6c: {  	s31 =	simm.s32 $0x2;
	[sflag:s2] =	ssyncpa.u1 $0x1  }
0x6d: {  	[sflag:s31] =	ssyncpa.u1 $0x1  }
0x6e: {  	p0 =	sne.s32 s0, $0x0;
	_ =	strace $0x90000050  }
0x6f: {  	s0 =	sadd.s32 @!p0 $0x100000, s1;
	[bflag:$0x2] =	sbarrier.arrive $0xFFFF  }
0x70: {  	[sflag:s0] =	ssyncadd.tile.s32 @!p0 $0x1;
	_ =	shalt  }
.Lfunc_end1:
_tile_overlayer_lowered:
.L_overlay_start_2:
0x71: {  	(tag) =	ssettag $0x2  }
0x72: {  	s0 =	rddreg [dreg:$0x0];
	s2 =	stileid.u32  }
0x73: {  	s1 =	rddreg [dreg:$0x1];
	p0 =	sne.s32 s2, $0x0  }
0x74: {  	s3 =	rddreg [dreg:$0x2];
	[bflag:$0x3] =	sbarrier.arrive $0xFFFF;
	s2 =	simm.s32 @!p0 $0x1C01  }
0x75: {  	[timem:s3], [sflag:s2] =	dma.local @!p0 [hbm:s0], s1  }
0x76: {  	s0 =	simm.s32 @!p0 $0x1  }
0x77: {  	_ =	swait.ge @!p0 [sflag:s0], s1  }
0x78: {  	s1 =	ssub.s32 @!p0 $0x0, s1;
	[sflag:s0] =	ssyncset.done @!p0 $0x0  }
0x79: {  	[sflag:s0] =	ssyncadd.s32 @!p0 s1  }
0x7a: {  	[bflag:$0x3] =	sbarrier.arrive $0xFFFF  }
0x7b: {  	_ =	shalt  }

</sc_bundles>
